<compile_context>
chip_gen: v7x
topology: tpu7x:2x2x1
jax: 0.10.2.dev20260603
libtpu: 0.0.44.dev20260713+nightly
codegen_flags: <defaults>
</compile_context>

<pallas_src>
import functools

import jax
import jax.numpy as jnp
from jax import lax
from jax.experimental import pallas as pl
from jax.experimental.pallas import tpu as pltpu
from jax.experimental.pallas import tpu_sc as plsc

N = 10000
NIN = 128
FVOL = 27
GROWS = N * FVOL

NC = 2
NT = 16

CH = 13056
NCHUNK = -(-GROWS // CH)
NCHUNK += NCHUNK % 2
CPC = NCHUNK // NC
OUTROWS = NCHUNK * CH
TRASH = CH
STRIPE = CH // NT

EB = 2000
BUF = 128
FLUSH_AT = BUF - 16


def _sc_body(x_hbm, src_hbm, dst_hbm, off_hbm, out_hbm,
             srcv, dstv, offv, srcbuf, gbuf, rowbuf, spmem, sem):
    cid = lax.axis_index("c")
    sid = lax.axis_index("s")
    ept = src_hbm.shape[0] // NT
    nblk = ept // EB
    ebase = sid * ept

    def zero_rowbuf():
        def zrow(r, carry):
            for k in range(NIN // 16):
                rowbuf[r, pl.ds(k * 16, 16)] = jnp.zeros((16,), jnp.float32)
            return carry
        lax.fori_loop(0, BUF, zrow, 0)

    def reset_bufs():
        for k in range(BUF // 16):
            srcbuf[pl.ds(k * 16, 16)] = jnp.zeros((16,), jnp.int32)
            gbuf[pl.ds(k * 16, 16)] = jnp.full((16,), TRASH, jnp.int32)

    def flush():
        pltpu.async_copy(x_hbm.at[srcbuf], rowbuf, sem).wait()
        pltpu.sync_copy(rowbuf, spmem.at[gbuf], add=True)
        reset_bufs()

    reset_bufs()

    def chunk_body(ci, _):
        lo = (cid * CPC + ci) * CH

        zero_rowbuf()
        sbase = sid * STRIPE
        nfull, rem = STRIPE // BUF, STRIPE % BUF
        for j in range(nfull):
            pltpu.sync_copy(rowbuf, spmem.at[pl.ds(sbase + j * BUF, BUF)])
        if rem:
            pltpu.sync_copy(rowbuf.at[pl.ds(0, rem)],
                            spmem.at[pl.ds(sbase + nfull * BUF, rem)])
        plsc.subcore_barrier()

        def blk_body(blk, cnt):
            base = ebase + blk * EB
            pltpu.sync_copy(src_hbm.at[pl.ds(base, EB)], srcv)
            pltpu.sync_copy(dst_hbm.at[pl.ds(base, EB)], dstv)
            pltpu.sync_copy(off_hbm.at[pl.ds(base, EB)], offv)

            def step(i, cnt):
                s16 = srcv[pl.ds(i * 16, 16)]
                d16 = dstv[pl.ds(i * 16, 16)]
                o16 = offv[pl.ds(i * 16, 16)]
                g = d16 * FVOL + o16 - lo
                m = (g >= 0) & (g < CH)
                scan = plsc.cumsum(m.astype(jnp.int32))
                pos = scan + (cnt - 1)
                plsc.store_scatter(srcbuf, [pos], s16, mask=m)
                plsc.store_scatter(gbuf, [pos], g, mask=m)
                cnt2 = cnt + jnp.sum(m.astype(jnp.int32))
                do_flush = cnt2 >= FLUSH_AT

                @pl.when(do_flush)
                def _():
                    flush()

                return jnp.where(do_flush, 0, cnt2)

            return lax.fori_loop(0, EB // 16, step, cnt)

        lax.fori_loop(0, nblk, blk_body, jnp.int32(0))
        flush()
        plsc.subcore_barrier()

        pltpu.sync_copy(spmem.at[pl.ds(sid * STRIPE, STRIPE)],
                        out_hbm.at[pl.ds(lo + sid * STRIPE, STRIPE)])
        plsc.subcore_barrier()
        return _

    lax.fori_loop(0, CPC, chunk_body, 0)


@functools.partial(jax.jit, static_argnames=())
def _run(x, src, dst, off):
    mesh = plsc.VectorSubcoreMesh(core_axis_name="c", subcore_axis_name="s")
    kcall = pl.kernel(
        _sc_body,
        out_type=jax.ShapeDtypeStruct((OUTROWS, NIN), jnp.float32),
        mesh=mesh,
        compiler_params=pltpu.CompilerParams(needs_layout_passes=False),
        scratch_types=[
            pltpu.VMEM((EB,), jnp.int32),
            pltpu.VMEM((EB,), jnp.int32),
            pltpu.VMEM((EB,), jnp.int32),
            pltpu.VMEM((BUF,), jnp.int32),
            pltpu.VMEM((BUF,), jnp.int32),
            pltpu.VMEM((BUF, NIN), jnp.float32),
            pltpu.VMEM_SHARED((CH + 1, NIN), jnp.float32),
            pltpu.SemaphoreType.DMA,
        ],
    )
    return kcall(x, src, dst, off)


def kernel(x, edge_index, edge_offset, weight):
    del weight
    src = edge_index[0].astype(jnp.int32)
    dst = edge_index[1].astype(jnp.int32)
    off = edge_offset.astype(jnp.int32)

    e = src.shape[0]
    epad = -(-e // (NT * EB)) * (NT * EB)
    if epad != e:
        pad = epad - e
        src = jnp.pad(src, (0, pad))
        dst = jnp.pad(dst, (0, pad))
        off = jnp.pad(off, (0, pad), constant_values=-1)

    out = _run(x, src, dst, off)
    return out[:GROWS].reshape(N, FVOL * NIN)

# --- scband reference (transcript-rebuilt; emitter-appended) ---
"""Pipeline reference for scband-shape-context-82437602279964 (READ-ONLY COPY).

The authoritative reference and input builder live on the scoring server;
editing this copy changes nothing except your own understanding.
"""

import jax, jax.numpy as jnp
import numpy as np

N = 10000
E = 320000
NIN = 128
FVOL = 27  # filter_size=3, dimension=3 -> 3**3


def setup_inputs(seed: int = 0) -> dict:
    key = jax.random.key(seed)
    k1, k2, k3 = jax.random.split(key, 3)
    x = jax.random.normal(k1, (N, NIN), dtype=jnp.float32)
    edge_index = jax.random.randint(k2, (2, E), 0, N, dtype=jnp.int64)
    edge_offset = jax.random.randint(k3, (E,), 0, FVOL, dtype=jnp.int64)
    # ShapeContext registers a fixed identity buffer: eye(nOut).view(filter_volume, nIn, nOut)
    weight = jnp.eye(FVOL * NIN, dtype=jnp.float32).reshape(FVOL, NIN, FVOL * NIN)
    return {"x": x, "edge_index": edge_index, "edge_offset": edge_offset, "weight": weight}


def reference(x, edge_index, edge_offset, weight):
    # Submanifold convolution with identity weight == for each active (src,dst) pair at
    # filter offset f, accumulate x[src] into output channel slot [f*nIn:(f+1)*nIn] of dst.
    # Because weight = eye(nOut).view(F, nIn, nOut), the per-edge matmul x[src] @ weight[f]
    # is exactly placement of x[src] into slot f; we exploit that identity structure here
    # (mathematically identical to SubmanifoldConvolution_updateOutput with this buffer).
    n = x.shape[0]
    nin = x.shape[1]
    fvol = weight.shape[0]
    src = edge_index[0]
    dst = edge_index[1]
    gathered = jnp.take(x, src, axis=0)                      # gather: [E, nIn]
    out3d = jnp.zeros((n, fvol, nin), dtype=x.dtype)
    out3d = out3d.at[dst, edge_offset].add(gathered)          # scatter-add into offset slot
    out = out3d.reshape(n, fvol * nin)                        # == sum_f gathered_f @ weight[f]
    return out

if __name__ == "__main__":
    import jax
    _d = setup_inputs()
    print(jax.jit(kernel)(*tuple(_d.values())))

</pallas_src>

<mosaic_0001>
#map = affine_map<(d0, d1) -> (0, 0)>
#map1 = affine_map<(d0, d1) -> (0)>
module attributes {stable_mosaic.version = 14 : i64} {
  func.func @_sc_body(%arg0: i32, %arg1: i32, %arg2: memref<10000x128xf32, #tpu.memory_space<hbm>>, %arg3: memref<320000xi32, #tpu.memory_space<hbm>>, %arg4: memref<320000xi32, #tpu.memory_space<hbm>>, %arg5: memref<320000xi32, #tpu.memory_space<hbm>>, %arg6: memref<287232x128xf32, #tpu.memory_space<hbm>>, %arg7: memref<2000xi32, #tpu.memory_space<vmem>>, %arg8: memref<2000xi32, #tpu.memory_space<vmem>>, %arg9: memref<2000xi32, #tpu.memory_space<vmem>>, %arg10: memref<128xi32, #tpu.memory_space<vmem>>, %arg11: memref<128xi32, #tpu.memory_space<vmem>>, %arg12: memref<128x128xf32, #tpu.memory_space<vmem>>, %arg13: memref<13057x128xf32, #tpu.memory_space<vmem_shared>>, %arg14: memref<!tpu.dma_semaphore, #tpu.memory_space<semaphore_mem>>) attributes {dimension_semantics = [#tpu.dimension_semantics<core_parallel>, #tpu.dimension_semantics<subcore_parallel>], iteration_bounds = array<i64: 2, 16>, scalar_prefetch = 0 : i64, scratch_operands = 8 : i64, tpu.core_type = #tpu.core_type<sc_vector_subcore>, window_params = [{transform_indices = #map}, {transform_indices = #map1}, {transform_indices = #map1}, {transform_indices = #map1}, {transform_indices = #map}]} {
    %mul3A = arith.constant 20000 : i32
    %mul3A_0 = arith.muli %arg1, %mul3A : i32
    %broadcast_in_dim3A = arith.constant 0 : i32
    %broadcast_in_dim3A_1 = vector.broadcast %broadcast_in_dim3A : i32 to vector<16xi32>
    %swap3A = arith.constant 0 : index
    %swap3A_2 = tpu.vector_load %arg10[%swap3A] {strides = array<i32>} : memref<128xi32, #tpu.memory_space<vmem>>, vector<16xi32>,
    tpu.vector_store %arg10[%swap3A], %broadcast_in_dim3A_1 {strides = array<i32>} : memref<128xi32, #tpu.memory_space<vmem>>, vector<16xi32>,
    %broadcast_in_dim3A_3 = arith.constant 13056 : i32
    %broadcast_in_dim3A_4 = vector.broadcast %broadcast_in_dim3A_3 : i32 to vector<16xi32>
    %swap3A_5 = arith.constant 0 : index
    %swap3A_6 = tpu.vector_load %arg11[%swap3A_5] {strides = array<i32>} : memref<128xi32, #tpu.memory_space<vmem>>, vector<16xi32>,
    tpu.vector_store %arg11[%swap3A_5], %broadcast_in_dim3A_4 {strides = array<i32>} : memref<128xi32, #tpu.memory_space<vmem>>, vector<16xi32>,
    %broadcast_in_dim3A_7 = arith.constant 0 : i32
    %broadcast_in_dim3A_8 = vector.broadcast %broadcast_in_dim3A_7 : i32 to vector<16xi32>
    %swap3A_9 = arith.constant 16 : index
    %swap3A_10 = tpu.vector_load %arg10[%swap3A_9] {strides = array<i32>} : memref<128xi32, #tpu.memory_space<vmem>>, vector<16xi32>,
    tpu.vector_store %arg10[%swap3A_9], %broadcast_in_dim3A_8 {strides = array<i32>} : memref<128xi32, #tpu.memory_space<vmem>>, vector<16xi32>,
    %broadcast_in_dim3A_11 = arith.constant 13056 : i32
    %broadcast_in_dim3A_12 = vector.broadcast %broadcast_in_dim3A_11 : i32 to vector<16xi32>
    %swap3A_13 = arith.constant 16 : index
    %swap3A_14 = tpu.vector_load %arg11[%swap3A_13] {strides = array<i32>} : memref<128xi32, #tpu.memory_space<vmem>>, vector<16xi32>,
    tpu.vector_store %arg11[%swap3A_13], %broadcast_in_dim3A_12 {strides = array<i32>} : memref<128xi32, #tpu.memory_space<vmem>>, vector<16xi32>,
    %broadcast_in_dim3A_15 = arith.constant 0 : i32
    %broadcast_in_dim3A_16 = vector.broadcast %broadcast_in_dim3A_15 : i32 to vector<16xi32>
    %swap3A_17 = arith.constant 32 : index
    %swap3A_18 = tpu.vector_load %arg10[%swap3A_17] {strides = array<i32>} : memref<128xi32, #tpu.memory_space<vmem>>, vector<16xi32>,
    tpu.vector_store %arg10[%swap3A_17], %broadcast_in_dim3A_16 {strides = array<i32>} : memref<128xi32, #tpu.memory_space<vmem>>, vector<16xi32>,
    %broadcast_in_dim3A_19 = arith.constant 13056 : i32
    %broadcast_in_dim3A_20 = vector.broadcast %broadcast_in_dim3A_19 : i32 to vector<16xi32>
    %swap3A_21 = arith.constant 32 : index
    %swap3A_22 = tpu.vector_load %arg11[%swap3A_21] {strides = array<i32>} : memref<128xi32, #tpu.memory_space<vmem>>, vector<16xi32>,
    tpu.vector_store %arg11[%swap3A_21], %broadcast_in_dim3A_20 {strides = array<i32>} : memref<128xi32, #tpu.memory_space<vmem>>, vector<16xi32>,
    %broadcast_in_dim3A_23 = arith.constant 0 : i32
    %broadcast_in_dim3A_24 = vector.broadcast %broadcast_in_dim3A_23 : i32 to vector<16xi32>
    %swap3A_25 = arith.constant 48 : index
    %swap3A_26 = tpu.vector_load %arg10[%swap3A_25] {strides = array<i32>} : memref<128xi32, #tpu.memory_space<vmem>>, vector<16xi32>,
    tpu.vector_store %arg10[%swap3A_25], %broadcast_in_dim3A_24 {strides = array<i32>} : memref<128xi32, #tpu.memory_space<vmem>>, vector<16xi32>,
    %broadcast_in_dim3A_27 = arith.constant 13056 : i32
    %broadcast_in_dim3A_28 = vector.broadcast %broadcast_in_dim3A_27 : i32 to vector<16xi32>
    %swap3A_29 = arith.constant 48 : index
    %swap3A_30 = tpu.vector_load %arg11[%swap3A_29] {strides = array<i32>} : memref<128xi32, #tpu.memory_space<vmem>>, vector<16xi32>,
    tpu.vector_store %arg11[%swap3A_29], %broadcast_in_dim3A_28 {strides = array<i32>} : memref<128xi32, #tpu.memory_space<vmem>>, vector<16xi32>,
    %broadcast_in_dim3A_31 = arith.constant 0 : i32
    %broadcast_in_dim3A_32 = vector.broadcast %broadcast_in_dim3A_31 : i32 to vector<16xi32>
    %swap3A_33 = arith.constant 64 : index
    %swap3A_34 = tpu.vector_load %arg10[%swap3A_33] {strides = array<i32>} : memref<128xi32, #tpu.memory_space<vmem>>, vector<16xi32>,
    tpu.vector_store %arg10[%swap3A_33], %broadcast_in_dim3A_32 {strides = array<i32>} : memref<128xi32, #tpu.memory_space<vmem>>, vector<16xi32>,
    %broadcast_in_dim3A_35 = arith.constant 13056 : i32
    %broadcast_in_dim3A_36 = vector.broadcast %broadcast_in_dim3A_35 : i32 to vector<16xi32>
    %swap3A_37 = arith.constant 64 : index
    %swap3A_38 = tpu.vector_load %arg11[%swap3A_37] {strides = array<i32>} : memref<128xi32, #tpu.memory_space<vmem>>, vector<16xi32>,
    tpu.vector_store %arg11[%swap3A_37], %broadcast_in_dim3A_36 {strides = array<i32>} : memref<128xi32, #tpu.memory_space<vmem>>, vector<16xi32>,
    %broadcast_in_dim3A_39 = arith.constant 0 : i32
    %broadcast_in_dim3A_40 = vector.broadcast %broadcast_in_dim3A_39 : i32 to vector<16xi32>
    %swap3A_41 = arith.constant 80 : index
    %swap3A_42 = tpu.vector_load %arg10[%swap3A_41] {strides = array<i32>} : memref<128xi32, #tpu.memory_space<vmem>>, vector<16xi32>,
    tpu.vector_store %arg10[%swap3A_41], %broadcast_in_dim3A_40 {strides = array<i32>} : memref<128xi32, #tpu.memory_space<vmem>>, vector<16xi32>,
    %broadcast_in_dim3A_43 = arith.constant 13056 : i32
    %broadcast_in_dim3A_44 = vector.broadcast %broadcast_in_dim3A_43 : i32 to vector<16xi32>
    %swap3A_45 = arith.constant 80 : index
    %swap3A_46 = tpu.vector_load %arg11[%swap3A_45] {strides = array<i32>} : memref<128xi32, #tpu.memory_space<vmem>>, vector<16xi32>,
    tpu.vector_store %arg11[%swap3A_45], %broadcast_in_dim3A_44 {strides = array<i32>} : memref<128xi32, #tpu.memory_space<vmem>>, vector<16xi32>,
    %broadcast_in_dim3A_47 = arith.constant 0 : i32
    %broadcast_in_dim3A_48 = vector.broadcast %broadcast_in_dim3A_47 : i32 to vector<16xi32>
    %swap3A_49 = arith.constant 96 : index
    %swap3A_50 = tpu.vector_load %arg10[%swap3A_49] {strides = array<i32>} : memref<128xi32, #tpu.memory_space<vmem>>, vector<16xi32>,
    tpu.vector_store %arg10[%swap3A_49], %broadcast_in_dim3A_48 {strides = array<i32>} : memref<128xi32, #tpu.memory_space<vmem>>, vector<16xi32>,
    %broadcast_in_dim3A_51 = arith.constant 13056 : i32
    %broadcast_in_dim3A_52 = vector.broadcast %broadcast_in_dim3A_51 : i32 to vector<16xi32>
    %swap3A_53 = arith.constant 96 : index
    %swap3A_54 = tpu.vector_load %arg11[%swap3A_53] {strides = array<i32>} : memref<128xi32, #tpu.memory_space<vmem>>, vector<16xi32>,
    tpu.vector_store %arg11[%swap3A_53], %broadcast_in_dim3A_52 {strides = array<i32>} : memref<128xi32, #tpu.memory_space<vmem>>, vector<16xi32>,
    %broadcast_in_dim3A_55 = arith.constant 0 : i32
    %broadcast_in_dim3A_56 = vector.broadcast %broadcast_in_dim3A_55 : i32 to vector<16xi32>
    %swap3A_57 = arith.constant 112 : index
    %swap3A_58 = tpu.vector_load %arg10[%swap3A_57] {strides = array<i32>} : memref<128xi32, #tpu.memory_space<vmem>>, vector<16xi32>,
    tpu.vector_store %arg10[%swap3A_57], %broadcast_in_dim3A_56 {strides = array<i32>} : memref<128xi32, #tpu.memory_space<vmem>>, vector<16xi32>,
    %broadcast_in_dim3A_59 = arith.constant 13056 : i32
    %broadcast_in_dim3A_60 = vector.broadcast %broadcast_in_dim3A_59 : i32 to vector<16xi32>
    %swap3A_61 = arith.constant 112 : index
    %swap3A_62 = tpu.vector_load %arg11[%swap3A_61] {strides = array<i32>} : memref<128xi32, #tpu.memory_space<vmem>>, vector<16xi32>,
    tpu.vector_store %arg11[%swap3A_61], %broadcast_in_dim3A_60 {strides = array<i32>} : memref<128xi32, #tpu.memory_space<vmem>>, vector<16xi32>,
    %scan3A = arith.constant 0 : i32
    %scan3A_63 = arith.constant 0 : i32
    %scan3A_64 = arith.constant 11 : i32
    %scan3A_65 = arith.addi %scan3A_63, %scan3A_64 : i32
    %scan3A_66 = arith.constant 1 : i32
    scf.for %scan3A_68 = %scan3A_63 to %scan3A_65 step %scan3A_66  : i32 {
      %mul3A_69 = arith.constant 11 : i32
      %mul3A_70 = arith.muli %arg0, %mul3A_69 : i32
      %add3A = arith.addi %mul3A_70, %scan3A_68 : i32
      %mul3A_71 = arith.constant 13056 : i32
      %mul3A_72 = arith.muli %add3A, %mul3A_71 : i32
      %scan3A_73 = arith.constant 0 : i32
      %scan3A_74 = arith.constant 0 : i32
      %scan3A_75 = arith.constant 128 : i32
      %scan3A_76 = arith.addi %scan3A_74, %scan3A_75 : i32
      %scan3A_77 = arith.constant 1 : i32
      scf.for %scan3A_177 = %scan3A_74 to %scan3A_76 step %scan3A_77  : i32 {
        %broadcast_in_dim3A_178 = arith.constant 0.000000e+00 : f32
        %broadcast_in_dim3A_179 = vector.broadcast %broadcast_in_dim3A_178 : f32 to vector<16xf32>
        %swap3A_180 = arith.index_cast %scan3A_177 : i32 to index
        %swap3A_181 = arith.constant 0 : index
        %swap3A_182 = tpu.vector_load %arg12[%swap3A_180, %swap3A_181] {strides = array<i32>} : memref<128x128xf32, #tpu.memory_space<vmem>>, vector<16xf32>,
        tpu.vector_store %arg12[%swap3A_180, %swap3A_181], %broadcast_in_dim3A_179 {strides = array<i32>} : memref<128x128xf32, #tpu.memory_space<vmem>>, vector<16xf32>,
        %broadcast_in_dim3A_183 = arith.constant 0.000000e+00 : f32
        %broadcast_in_dim3A_184 = vector.broadcast %broadcast_in_dim3A_183 : f32 to vector<16xf32>
        %swap3A_185 = arith.index_cast %scan3A_177 : i32 to index
        %swap3A_186 = arith.constant 16 : index
        %swap3A_187 = tpu.vector_load %arg12[%swap3A_185, %swap3A_186] {strides = array<i32>} : memref<128x128xf32, #tpu.memory_space<vmem>>, vector<16xf32>,
        tpu.vector_store %arg12[%swap3A_185, %swap3A_186], %broadcast_in_dim3A_184 {strides = array<i32>} : memref<128x128xf32, #tpu.memory_space<vmem>>, vector<16xf32>,
        %broadcast_in_dim3A_188 = arith.constant 0.000000e+00 : f32
        %broadcast_in_dim3A_189 = vector.broadcast %broadcast_in_dim3A_188 : f32 to vector<16xf32>
        %swap3A_190 = arith.index_cast %scan3A_177 : i32 to index
        %swap3A_191 = arith.constant 32 : index
        %swap3A_192 = tpu.vector_load %arg12[%swap3A_190, %swap3A_191] {strides = array<i32>} : memref<128x128xf32, #tpu.memory_space<vmem>>, vector<16xf32>,
        tpu.vector_store %arg12[%swap3A_190, %swap3A_191], %broadcast_in_dim3A_189 {strides = array<i32>} : memref<128x128xf32, #tpu.memory_space<vmem>>, vector<16xf32>,
        %broadcast_in_dim3A_193 = arith.constant 0.000000e+00 : f32
        %broadcast_in_dim3A_194 = vector.broadcast %broadcast_in_dim3A_193 : f32 to vector<16xf32>
        %swap3A_195 = arith.index_cast %scan3A_177 : i32 to index
        %swap3A_196 = arith.constant 48 : index
        %swap3A_197 = tpu.vector_load %arg12[%swap3A_195, %swap3A_196] {strides = array<i32>} : memref<128x128xf32, #tpu.memory_space<vmem>>, vector<16xf32>,
        tpu.vector_store %arg12[%swap3A_195, %swap3A_196], %broadcast_in_dim3A_194 {strides = array<i32>} : memref<128x128xf32, #tpu.memory_space<vmem>>, vector<16xf32>,
        %broadcast_in_dim3A_198 = arith.constant 0.000000e+00 : f32
        %broadcast_in_dim3A_199 = vector.broadcast %broadcast_in_dim3A_198 : f32 to vector<16xf32>
        %swap3A_200 = arith.index_cast %scan3A_177 : i32 to index
        %swap3A_201 = arith.constant 64 : index
        %swap3A_202 = tpu.vector_load %arg12[%swap3A_200, %swap3A_201] {strides = array<i32>} : memref<128x128xf32, #tpu.memory_space<vmem>>, vector<16xf32>,
        tpu.vector_store %arg12[%swap3A_200, %swap3A_201], %broadcast_in_dim3A_199 {strides = array<i32>} : memref<128x128xf32, #tpu.memory_space<vmem>>, vector<16xf32>,
        %broadcast_in_dim3A_203 = arith.constant 0.000000e+00 : f32
        %broadcast_in_dim3A_204 = vector.broadcast %broadcast_in_dim3A_203 : f32 to vector<16xf32>
        %swap3A_205 = arith.index_cast %scan3A_177 : i32 to index
        %swap3A_206 = arith.constant 80 : index
        %swap3A_207 = tpu.vector_load %arg12[%swap3A_205, %swap3A_206] {strides = array<i32>} : memref<128x128xf32, #tpu.memory_space<vmem>>, vector<16xf32>,
        tpu.vector_store %arg12[%swap3A_205, %swap3A_206], %broadcast_in_dim3A_204 {strides = array<i32>} : memref<128x128xf32, #tpu.memory_space<vmem>>, vector<16xf32>,
        %broadcast_in_dim3A_208 = arith.constant 0.000000e+00 : f32
        %broadcast_in_dim3A_209 = vector.broadcast %broadcast_in_dim3A_208 : f32 to vector<16xf32>
        %swap3A_210 = arith.index_cast %scan3A_177 : i32 to index
        %swap3A_211 = arith.constant 96 : index
        %swap3A_212 = tpu.vector_load %arg12[%swap3A_210, %swap3A_211] {strides = array<i32>} : memref<128x128xf32, #tpu.memory_space<vmem>>, vector<16xf32>,
        tpu.vector_store %arg12[%swap3A_210, %swap3A_211], %broadcast_in_dim3A_209 {strides = array<i32>} : memref<128x128xf32, #tpu.memory_space<vmem>>, vector<16xf32>,
        %broadcast_in_dim3A_213 = arith.constant 0.000000e+00 : f32
        %broadcast_in_dim3A_214 = vector.broadcast %broadcast_in_dim3A_213 : f32 to vector<16xf32>
        %swap3A_215 = arith.index_cast %scan3A_177 : i32 to index
        %swap3A_216 = arith.constant 112 : index
        %swap3A_217 = tpu.vector_load %arg12[%swap3A_215, %swap3A_216] {strides = array<i32>} : memref<128x128xf32, #tpu.memory_space<vmem>>, vector<16xf32>,
        tpu.vector_store %arg12[%swap3A_215, %swap3A_216], %broadcast_in_dim3A_214 {strides = array<i32>} : memref<128x128xf32, #tpu.memory_space<vmem>>, vector<16xf32>,
      }
      %scan3A_78 = arith.constant 128 : i32
      %mul3A_79 = arith.constant 816 : i32
      %mul3A_80 = arith.muli %arg1, %mul3A_79 : i32
      %add3A_81 = arith.constant 0 : i32
      %add3A_82 = arith.addi %mul3A_80, %add3A_81 : i32
      "tpu.region"() ({
        %run_scoped3A = tpu.sem_alloc : memref<!tpu.dma_semaphore, #tpu.memory_space<semaphore_mem>>
        %dma_start3A_177 = arith.constant 0 : i32
        %dma_start3A_178 = tpu.memref_slice %arg13[%add3A_82, %dma_start3A_177] : memref<13057x128xf32, #tpu.memory_space<vmem_shared>> -> memref<128x128xf32, #tpu.memory_space<vmem_shared>>
        %dma_start3A_179 = arith.constant 0 : i32
        %dma_start3A_180 = tpu.memref_slice %arg13[%add3A_82, %dma_start3A_179] : memref<13057x128xf32, #tpu.memory_space<vmem_shared>> -> memref<128x128xf32, #tpu.memory_space<vmem_shared>>
        tpu.enqueue_dma source(%arg12 : memref<128x128xf32, #tpu.memory_space<vmem>>) target(%dma_start3A_180 : memref<128x128xf32, #tpu.memory_space<vmem_shared>>) target_semaphore(%run_scoped3A : memref<!tpu.dma_semaphore, #tpu.memory_space<semaphore_mem>>)
        %dma_wait3A_181 = arith.constant 0 : i32
        %dma_wait3A_182 = tpu.memref_slice %arg13[%add3A_82, %dma_wait3A_181] : memref<13057x128xf32, #tpu.memory_space<vmem_shared>> -> memref<128x128xf32, #tpu.memory_space<vmem_shared>>
        %dma_wait3A_183 = arith.constant 0 : i32
        %dma_wait3A_184 = tpu.memref_slice %arg13[%add3A_82, %dma_wait3A_183] : memref<13057x128xf32, #tpu.memory_space<vmem_shared>> -> memref<128x128xf32, #tpu.memory_space<vmem_shared>>
        tpu.wait_dma2 semaphore(%run_scoped3A : memref<!tpu.dma_semaphore, #tpu.memory_space<semaphore_mem>>) src(%arg12 : memref<128x128xf32, #tpu.memory_space<vmem>>) dst(%dma_wait3A_184 : memref<128x128xf32, #tpu.memory_space<vmem_shared>>)
        tpu.yield
      }) : () -> ()
      %add3A_83 = arith.constant 128 : i32
      %add3A_84 = arith.addi %mul3A_80, %add3A_83 : i32
      "tpu.region"() ({
        %run_scoped3A = tpu.sem_alloc : memref<!tpu.dma_semaphore, #tpu.memory_space<semaphore_mem>>
        %dma_start3A_177 = arith.constant 0 : i32
        %dma_start3A_178 = tpu.memref_slice %arg13[%add3A_84, %dma_start3A_177] : memref<13057x128xf32, #tpu.memory_space<vmem_shared>> -> memref<128x128xf32, #tpu.memory_space<vmem_shared>>
        %dma_start3A_179 = arith.constant 0 : i32
        %dma_start3A_180 = tpu.memref_slice %arg13[%add3A_84, %dma_start3A_179] : memref<13057x128xf32, #tpu.memory_space<vmem_shared>> -> memref<128x128xf32, #tpu.memory_space<vmem_shared>>
        tpu.enqueue_dma source(%arg12 : memref<128x128xf32, #tpu.memory_space<vmem>>) target(%dma_start3A_180 : memref<128x128xf32, #tpu.memory_space<vmem_shared>>) target_semaphore(%run_scoped3A : memref<!tpu.dma_semaphore, #tpu.memory_space<semaphore_mem>>)
        %dma_wait3A_181 = arith.constant 0 : i32
        %dma_wait3A_182 = tpu.memref_slice %arg13[%add3A_84, %dma_wait3A_181] : memref<13057x128xf32, #tpu.memory_space<vmem_shared>> -> memref<128x128xf32, #tpu.memory_space<vmem_shared>>
        %dma_wait3A_183 = arith.constant 0 : i32
        %dma_wait3A_184 = tpu.memref_slice %arg13[%add3A_84, %dma_wait3A_183] : memref<13057x128xf32, #tpu.memory_space<vmem_shared>> -> memref<128x128xf32, #tpu.memory_space<vmem_shared>>
        tpu.wait_dma2 semaphore(%run_scoped3A : memref<!tpu.dma_semaphore, #tpu.memory_space<semaphore_mem>>) src(%arg12 : memref<128x128xf32, #tpu.memory_space<vmem>>) dst(%dma_wait3A_184 : memref<128x128xf32, #tpu.memory_space<vmem_shared>>)
        tpu.yield
      }) : () -> ()
      %add3A_85 = arith.constant 256 : i32
      %add3A_86 = arith.addi %mul3A_80, %add3A_85 : i32
      "tpu.region"() ({
        %run_scoped3A = tpu.sem_alloc : memref<!tpu.dma_semaphore, #tpu.memory_space<semaphore_mem>>
        %dma_start3A_177 = arith.constant 0 : i32
        %dma_start3A_178 = tpu.memref_slice %arg13[%add3A_86, %dma_start3A_177] : memref<13057x128xf32, #tpu.memory_space<vmem_shared>> -> memref<128x128xf32, #tpu.memory_space<vmem_shared>>
        %dma_start3A_179 = arith.constant 0 : i32
        %dma_start3A_180 = tpu.memref_slice %arg13[%add3A_86, %dma_start3A_179] : memref<13057x128xf32, #tpu.memory_space<vmem_shared>> -> memref<128x128xf32, #tpu.memory_space<vmem_shared>>
        tpu.enqueue_dma source(%arg12 : memref<128x128xf32, #tpu.memory_space<vmem>>) target(%dma_start3A_180 : memref<128x128xf32, #tpu.memory_space<vmem_shared>>) target_semaphore(%run_scoped3A : memref<!tpu.dma_semaphore, #tpu.memory_space<semaphore_mem>>)
        %dma_wait3A_181 = arith.constant 0 : i32
        %dma_wait3A_182 = tpu.memref_slice %arg13[%add3A_86, %dma_wait3A_181] : memref<13057x128xf32, #tpu.memory_space<vmem_shared>> -> memref<128x128xf32, #tpu.memory_space<vmem_shared>>
        %dma_wait3A_183 = arith.constant 0 : i32
        %dma_wait3A_184 = tpu.memref_slice %arg13[%add3A_86, %dma_wait3A_183] : memref<13057x128xf32, #tpu.memory_space<vmem_shared>> -> memref<128x128xf32, #tpu.memory_space<vmem_shared>>
        tpu.wait_dma2 semaphore(%run_scoped3A : memref<!tpu.dma_semaphore, #tpu.memory_space<semaphore_mem>>) src(%arg12 : memref<128x128xf32, #tpu.memory_space<vmem>>) dst(%dma_wait3A_184 : memref<128x128xf32, #tpu.memory_space<vmem_shared>>)
        tpu.yield
      }) : () -> ()
      %add3A_87 = arith.constant 384 : i32
      %add3A_88 = arith.addi %mul3A_80, %add3A_87 : i32
      "tpu.region"() ({
        %run_scoped3A = tpu.sem_alloc : memref<!tpu.dma_semaphore, #tpu.memory_space<semaphore_mem>>
        %dma_start3A_177 = arith.constant 0 : i32
        %dma_start3A_178 = tpu.memref_slice %arg13[%add3A_88, %dma_start3A_177] : memref<13057x128xf32, #tpu.memory_space<vmem_shared>> -> memref<128x128xf32, #tpu.memory_space<vmem_shared>>
        %dma_start3A_179 = arith.constant 0 : i32
        %dma_start3A_180 = tpu.memref_slice %arg13[%add3A_88, %dma_start3A_179] : memref<13057x128xf32, #tpu.memory_space<vmem_shared>> -> memref<128x128xf32, #tpu.memory_space<vmem_shared>>
        tpu.enqueue_dma source(%arg12 : memref<128x128xf32, #tpu.memory_space<vmem>>) target(%dma_start3A_180 : memref<128x128xf32, #tpu.memory_space<vmem_shared>>) target_semaphore(%run_scoped3A : memref<!tpu.dma_semaphore, #tpu.memory_space<semaphore_mem>>)
        %dma_wait3A_181 = arith.constant 0 : i32
        %dma_wait3A_182 = tpu.memref_slice %arg13[%add3A_88, %dma_wait3A_181] : memref<13057x128xf32, #tpu.memory_space<vmem_shared>> -> memref<128x128xf32, #tpu.memory_space<vmem_shared>>
        %dma_wait3A_183 = arith.constant 0 : i32
        %dma_wait3A_184 = tpu.memref_slice %arg13[%add3A_88, %dma_wait3A_183] : memref<13057x128xf32, #tpu.memory_space<vmem_shared>> -> memref<128x128xf32, #tpu.memory_space<vmem_shared>>
        tpu.wait_dma2 semaphore(%run_scoped3A : memref<!tpu.dma_semaphore, #tpu.memory_space<semaphore_mem>>) src(%arg12 : memref<128x128xf32, #tpu.memory_space<vmem>>) dst(%dma_wait3A_184 : memref<128x128xf32, #tpu.memory_space<vmem_shared>>)
        tpu.yield
      }) : () -> ()
      %add3A_89 = arith.constant 512 : i32
      %add3A_90 = arith.addi %mul3A_80, %add3A_89 : i32
      "tpu.region"() ({
        %run_scoped3A = tpu.sem_alloc : memref<!tpu.dma_semaphore, #tpu.memory_space<semaphore_mem>>
        %dma_start3A_177 = arith.constant 0 : i32
        %dma_start3A_178 = tpu.memref_slice %arg13[%add3A_90, %dma_start3A_177] : memref<13057x128xf32, #tpu.memory_space<vmem_shared>> -> memref<128x128xf32, #tpu.memory_space<vmem_shared>>
        %dma_start3A_179 = arith.constant 0 : i32
        %dma_start3A_180 = tpu.memref_slice %arg13[%add3A_90, %dma_start3A_179] : memref<13057x128xf32, #tpu.memory_space<vmem_shared>> -> memref<128x128xf32, #tpu.memory_space<vmem_shared>>
        tpu.enqueue_dma source(%arg12 : memref<128x128xf32, #tpu.memory_space<vmem>>) target(%dma_start3A_180 : memref<128x128xf32, #tpu.memory_space<vmem_shared>>) target_semaphore(%run_scoped3A : memref<!tpu.dma_semaphore, #tpu.memory_space<semaphore_mem>>)
        %dma_wait3A_181 = arith.constant 0 : i32
        %dma_wait3A_182 = tpu.memref_slice %arg13[%add3A_90, %dma_wait3A_181] : memref<13057x128xf32, #tpu.memory_space<vmem_shared>> -> memref<128x128xf32, #tpu.memory_space<vmem_shared>>
        %dma_wait3A_183 = arith.constant 0 : i32
        %dma_wait3A_184 = tpu.memref_slice %arg13[%add3A_90, %dma_wait3A_183] : memref<13057x128xf32, #tpu.memory_space<vmem_shared>> -> memref<128x128xf32, #tpu.memory_space<vmem_shared>>
        tpu.wait_dma2 semaphore(%run_scoped3A : memref<!tpu.dma_semaphore, #tpu.memory_space<semaphore_mem>>) src(%arg12 : memref<128x128xf32, #tpu.memory_space<vmem>>) dst(%dma_wait3A_184 : memref<128x128xf32, #tpu.memory_space<vmem_shared>>)
        tpu.yield
      }) : () -> ()
      %add3A_91 = arith.constant 640 : i32
      %add3A_92 = arith.addi %mul3A_80, %add3A_91 : i32
      "tpu.region"() ({
        %run_scoped3A = tpu.sem_alloc : memref<!tpu.dma_semaphore, #tpu.memory_space<semaphore_mem>>
        %dma_start3A_177 = arith.constant 0 : i32
        %dma_start3A_178 = tpu.memref_slice %arg13[%add3A_92, %dma_start3A_177] : memref<13057x128xf32, #tpu.memory_space<vmem_shared>> -> memref<128x128xf32, #tpu.memory_space<vmem_shared>>
        %dma_start3A_179 = arith.constant 0 : i32
        %dma_start3A_180 = tpu.memref_slice %arg13[%add3A_92, %dma_start3A_179] : memref<13057x128xf32, #tpu.memory_space<vmem_shared>> -> memref<128x128xf32, #tpu.memory_space<vmem_shared>>
        tpu.enqueue_dma source(%arg12 : memref<128x128xf32, #tpu.memory_space<vmem>>) target(%dma_start3A_180 : memref<128x128xf32, #tpu.memory_space<vmem_shared>>) target_semaphore(%run_scoped3A : memref<!tpu.dma_semaphore, #tpu.memory_space<semaphore_mem>>)
        %dma_wait3A_181 = arith.constant 0 : i32
        %dma_wait3A_182 = tpu.memref_slice %arg13[%add3A_92, %dma_wait3A_181] : memref<13057x128xf32, #tpu.memory_space<vmem_shared>> -> memref<128x128xf32, #tpu.memory_space<vmem_shared>>
        %dma_wait3A_183 = arith.constant 0 : i32
        %dma_wait3A_184 = tpu.memref_slice %arg13[%add3A_92, %dma_wait3A_183] : memref<13057x128xf32, #tpu.memory_space<vmem_shared>> -> memref<128x128xf32, #tpu.memory_space<vmem_shared>>
        tpu.wait_dma2 semaphore(%run_scoped3A : memref<!tpu.dma_semaphore, #tpu.memory_space<semaphore_mem>>) src(%arg12 : memref<128x128xf32, #tpu.memory_space<vmem>>) dst(%dma_wait3A_184 : memref<128x128xf32, #tpu.memory_space<vmem_shared>>)
        tpu.yield
      }) : () -> ()
      %add3A_93 = arith.constant 768 : i32
      %add3A_94 = arith.addi %mul3A_80, %add3A_93 : i32
      "tpu.region"() ({
        %run_scoped3A = tpu.sem_alloc : memref<!tpu.dma_semaphore, #tpu.memory_space<semaphore_mem>>
        %dma_start3A_177 = arith.constant 0 : i32
        %dma_start3A_178 = arith.constant 0 : i32
        %dma_start3A_179 = tpu.memref_slice %arg12[%dma_start3A_177, %dma_start3A_178] : memref<128x128xf32, #tpu.memory_space<vmem>> -> memref<48x128xf32, #tpu.memory_space<vmem>>
        %dma_start3A_180 = arith.constant 0 : i32
        %dma_start3A_181 = tpu.memref_slice %arg13[%add3A_94, %dma_start3A_180] : memref<13057x128xf32, #tpu.memory_space<vmem_shared>> -> memref<48x128xf32, #tpu.memory_space<vmem_shared>>
        %dma_start3A_182 = arith.constant 0 : i32
        %dma_start3A_183 = tpu.memref_slice %arg13[%add3A_94, %dma_start3A_182] : memref<13057x128xf32, #tpu.memory_space<vmem_shared>> -> memref<48x128xf32, #tpu.memory_space<vmem_shared>>
        %dma_start3A_184 = arith.constant 0 : i32
        %dma_start3A_185 = arith.constant 0 : i32
        %dma_start3A_186 = tpu.memref_slice %arg12[%dma_start3A_184, %dma_start3A_185] : memref<128x128xf32, #tpu.memory_space<vmem>> -> memref<48x128xf32, #tpu.memory_space<vmem>>
        tpu.enqueue_dma source(%dma_start3A_186 : memref<48x128xf32, #tpu.memory_space<vmem>>) target(%dma_start3A_183 : memref<48x128xf32, #tpu.memory_space<vmem_shared>>) target_semaphore(%run_scoped3A : memref<!tpu.dma_semaphore, #tpu.memory_space<semaphore_mem>>)
        %dma_wait3A_187 = arith.constant 0 : i32
        %dma_wait3A_188 = arith.constant 0 : i32
        %dma_wait3A_189 = tpu.memref_slice %arg12[%dma_wait3A_187, %dma_wait3A_188] : memref<128x128xf32, #tpu.memory_space<vmem>> -> memref<48x128xf32, #tpu.memory_space<vmem>>
        %dma_wait3A_190 = arith.constant 0 : i32
        %dma_wait3A_191 = tpu.memref_slice %arg13[%add3A_94, %dma_wait3A_190] : memref<13057x128xf32, #tpu.memory_space<vmem_shared>> -> memref<48x128xf32, #tpu.memory_space<vmem_shared>>
        %dma_wait3A_192 = arith.constant 0 : i32
        %dma_wait3A_193 = tpu.memref_slice %arg13[%add3A_94, %dma_wait3A_192] : memref<13057x128xf32, #tpu.memory_space<vmem_shared>> -> memref<48x128xf32, #tpu.memory_space<vmem_shared>>
        %dma_wait3A_194 = arith.constant 0 : i32
        %dma_wait3A_195 = arith.constant 0 : i32
        %dma_wait3A_196 = tpu.memref_slice %arg12[%dma_wait3A_194, %dma_wait3A_195] : memref<128x128xf32, #tpu.memory_space<vmem>> -> memref<48x128xf32, #tpu.memory_space<vmem>>
        tpu.wait_dma2 semaphore(%run_scoped3A : memref<!tpu.dma_semaphore, #tpu.memory_space<semaphore_mem>>) src(%dma_wait3A_196 : memref<48x128xf32, #tpu.memory_space<vmem>>) dst(%dma_wait3A_193 : memref<48x128xf32, #tpu.memory_space<vmem_shared>>)
        tpu.yield
      }) : () -> ()
      %barrier3A = arith.constant 0 : index
      tpu.barrier barrier_id(%barrier3A)
      %scan3A_95 = arith.constant 0 : i32
      %scan3A_96 = arith.constant 0 : i32
      %scan3A_97 = arith.constant 10 : i32
      %scan3A_98 = arith.addi %scan3A_96, %scan3A_97 : i32
      %scan3A_99 = arith.constant 1 : i32
      %scan3A_100 = scf.for %scan3A_177 = %scan3A_96 to %scan3A_98 step %scan3A_99 iter_args(%scan3A_178 = %scan3A_95) -> (i32)  : i32 {
        %mul3A_179 = arith.constant 2000 : i32
        %mul3A_180 = arith.muli %scan3A_177, %mul3A_179 : i32
        %add3A_181 = arith.addi %mul3A_0, %mul3A_180 : i32
        "tpu.region"() ({
          %run_scoped3A = tpu.sem_alloc : memref<!tpu.dma_semaphore, #tpu.memory_space<semaphore_mem>>
          %dma_start3A_188 = tpu.memref_slice %arg3[%add3A_181] : memref<320000xi32, #tpu.memory_space<hbm>> -> memref<2000xi32, #tpu.memory_space<hbm>>
          %dma_start3A_189 = tpu.memref_slice %arg3[%add3A_181] : memref<320000xi32, #tpu.memory_space<hbm>> -> memref<2000xi32, #tpu.memory_space<hbm>>
          tpu.enqueue_dma source(%dma_start3A_189 : memref<2000xi32, #tpu.memory_space<hbm>>) target(%arg7 : memref<2000xi32, #tpu.memory_space<vmem>>) target_semaphore(%run_scoped3A : memref<!tpu.dma_semaphore, #tpu.memory_space<semaphore_mem>>)
          %dma_wait3A_190 = tpu.memref_slice %arg3[%add3A_181] : memref<320000xi32, #tpu.memory_space<hbm>> -> memref<2000xi32, #tpu.memory_space<hbm>>
          %dma_wait3A_191 = tpu.memref_slice %arg3[%add3A_181] : memref<320000xi32, #tpu.memory_space<hbm>> -> memref<2000xi32, #tpu.memory_space<hbm>>
          tpu.wait_dma2 semaphore(%run_scoped3A : memref<!tpu.dma_semaphore, #tpu.memory_space<semaphore_mem>>) src(%dma_wait3A_191 : memref<2000xi32, #tpu.memory_space<hbm>>) dst(%arg7 : memref<2000xi32, #tpu.memory_space<vmem>>)
          tpu.yield
        }) : () -> ()
        "tpu.region"() ({
          %run_scoped3A = tpu.sem_alloc : memref<!tpu.dma_semaphore, #tpu.memory_space<semaphore_mem>>
          %dma_start3A_188 = tpu.memref_slice %arg4[%add3A_181] : memref<320000xi32, #tpu.memory_space<hbm>> -> memref<2000xi32, #tpu.memory_space<hbm>>
          %dma_start3A_189 = tpu.memref_slice %arg4[%add3A_181] : memref<320000xi32, #tpu.memory_space<hbm>> -> memref<2000xi32, #tpu.memory_space<hbm>>
          tpu.enqueue_dma source(%dma_start3A_189 : memref<2000xi32, #tpu.memory_space<hbm>>) target(%arg8 : memref<2000xi32, #tpu.memory_space<vmem>>) target_semaphore(%run_scoped3A : memref<!tpu.dma_semaphore, #tpu.memory_space<semaphore_mem>>)
          %dma_wait3A_190 = tpu.memref_slice %arg4[%add3A_181] : memref<320000xi32, #tpu.memory_space<hbm>> -> memref<2000xi32, #tpu.memory_space<hbm>>
          %dma_wait3A_191 = tpu.memref_slice %arg4[%add3A_181] : memref<320000xi32, #tpu.memory_space<hbm>> -> memref<2000xi32, #tpu.memory_space<hbm>>
          tpu.wait_dma2 semaphore(%run_scoped3A : memref<!tpu.dma_semaphore, #tpu.memory_space<semaphore_mem>>) src(%dma_wait3A_191 : memref<2000xi32, #tpu.memory_space<hbm>>) dst(%arg8 : memref<2000xi32, #tpu.memory_space<vmem>>)
          tpu.yield
        }) : () -> ()
        "tpu.region"() ({
          %run_scoped3A = tpu.sem_alloc : memref<!tpu.dma_semaphore, #tpu.memory_space<semaphore_mem>>
          %dma_start3A_188 = tpu.memref_slice %arg5[%add3A_181] : memref<320000xi32, #tpu.memory_space<hbm>> -> memref<2000xi32, #tpu.memory_space<hbm>>
          %dma_start3A_189 = tpu.memref_slice %arg5[%add3A_181] : memref<320000xi32, #tpu.memory_space<hbm>> -> memref<2000xi32, #tpu.memory_space<hbm>>
          tpu.enqueue_dma source(%dma_start3A_189 : memref<2000xi32, #tpu.memory_space<hbm>>) target(%arg9 : memref<2000xi32, #tpu.memory_space<vmem>>) target_semaphore(%run_scoped3A : memref<!tpu.dma_semaphore, #tpu.memory_space<semaphore_mem>>)
          %dma_wait3A_190 = tpu.memref_slice %arg5[%add3A_181] : memref<320000xi32, #tpu.memory_space<hbm>> -> memref<2000xi32, #tpu.memory_space<hbm>>
          %dma_wait3A_191 = tpu.memref_slice %arg5[%add3A_181] : memref<320000xi32, #tpu.memory_space<hbm>> -> memref<2000xi32, #tpu.memory_space<hbm>>
          tpu.wait_dma2 semaphore(%run_scoped3A : memref<!tpu.dma_semaphore, #tpu.memory_space<semaphore_mem>>) src(%dma_wait3A_191 : memref<2000xi32, #tpu.memory_space<hbm>>) dst(%arg9 : memref<2000xi32, #tpu.memory_space<vmem>>)
          tpu.yield
        }) : () -> ()
        %scan3A_182 = arith.constant 0 : i32
        %scan3A_183 = arith.constant 125 : i32
        %scan3A_184 = arith.addi %scan3A_182, %scan3A_183 : i32
        %scan3A_185 = arith.constant 1 : i32
        %scan3A_186 = scf.for %scan3A_188 = %scan3A_182 to %scan3A_184 step %scan3A_185 iter_args(%scan3A_189 = %scan3A_178) -> (i32)  : i32 {
          %mul3A_190 = arith.constant 16 : i32
          %mul3A_191 = arith.muli %scan3A_188, %mul3A_190 : i32
          %get3A = arith.index_cast %mul3A_191 : i32 to index
          %get3A_192 = tpu.vector_load %arg7[%get3A] {strides = array<i32>} : memref<2000xi32, #tpu.memory_space<vmem>>, vector<16xi32>,
          %mul3A_193 = arith.constant 16 : i32
          %mul3A_194 = arith.muli %scan3A_188, %mul3A_193 : i32
          %get3A_195 = arith.index_cast %mul3A_194 : i32 to index
          %get3A_196 = tpu.vector_load %arg8[%get3A_195] {strides = array<i32>} : memref<2000xi32, #tpu.memory_space<vmem>>, vector<16xi32>,
          %mul3A_197 = arith.constant 16 : i32
          %mul3A_198 = arith.muli %scan3A_188, %mul3A_197 : i32
          %get3A_199 = arith.index_cast %mul3A_198 : i32 to index
          %get3A_200 = tpu.vector_load %arg9[%get3A_199] {strides = array<i32>} : memref<2000xi32, #tpu.memory_space<vmem>>, vector<16xi32>,
          %mul3A_201 = arith.constant 27 : i32
          %mul3A_202 = vector.broadcast %mul3A_201 : i32 to vector<16xi32>
          %mul3A_203 = arith.muli %get3A_196, %mul3A_202 : vector<16xi32>
          %add3A_204 = arith.addi %mul3A_203, %get3A_200 : vector<16xi32>
          %sub3A = vector.broadcast %mul3A_72 : i32 to vector<16xi32>
          %sub3A_205 = arith.subi %add3A_204, %sub3A : vector<16xi32>
          %ge3A = arith.constant 0 : i32
          %ge3A_206 = vector.broadcast %ge3A : i32 to vector<16xi32>
          %ge3A_207 = arith.cmpi sge, %sub3A_205, %ge3A_206 : vector<16xi32>
          %lt3A = arith.constant 13056 : i32
          %lt3A_208 = vector.broadcast %lt3A : i32 to vector<16xi32>
          %lt3A_209 = arith.cmpi slt, %sub3A_205, %lt3A_208 : vector<16xi32>
          %and3A = arith.andi %ge3A_207, %lt3A_209 : vector<16xi1>
          %convert_element_type3A = arith.extui %and3A : vector<16xi1> to vector<16xi32>
          %broadcast_in_dim3A_210 = arith.constant true
          %broadcast_in_dim3A_211 = vector.broadcast %broadcast_in_dim3A_210 : i1 to vector<16xi1>
          %masked_cumsum3A = tpu.scan <sum>, %convert_element_type3A masked %broadcast_in_dim3A_211 : vector<16xi32>, vector<16xi1> -> vector<16xi32>
          %sub3A_212 = arith.constant 1 : i32
          %sub3A_213 = arith.subi %scan3A_189, %sub3A_212 : i32
          %add3A_214 = vector.broadcast %sub3A_213 : i32 to vector<16xi32>
          %add3A_215 = arith.addi %masked_cumsum3A, %add3A_214 : vector<16xi32>
          tpu.vector_store_idx %arg10[%add3A_215], %get3A_192 masked %and3A : memref<128xi32, #tpu.memory_space<vmem>>[vector<16xi32>], vector<16xi32>, vector<16xi1>
          tpu.vector_store_idx %arg11[%add3A_215], %sub3A_205 masked %and3A : memref<128xi32, #tpu.memory_space<vmem>>[vector<16xi32>], vector<16xi32>, vector<16xi1>
          %convert_element_type3A_216 = arith.extui %and3A : vector<16xi1> to vector<16xi32>
          %reduce_sum3A = arith.constant true
          %reduce_sum3A_217 = vector.broadcast %reduce_sum3A : i1 to vector<16xi1>
          %reduce_sum3A_218 = tpu.scan <sum>, %convert_element_type3A_216 masked %reduce_sum3A_217 : vector<16xi32>, vector<16xi1> -> vector<16xi32>
          %reduce_sum3A_219 = vector.extract %reduce_sum3A_218[15] : i32 from vector<16xi32>
          %add3A_220 = arith.addi %scan3A_189, %reduce_sum3A_219 : i32
          %ge3A_221 = arith.constant 112 : i32
          %ge3A_222 = arith.cmpi sge, %add3A_220, %ge3A_221 : i32
          %convert_element_type3A_223 = arith.extui %ge3A_222 : i1 to i32
          %cond3A = arith.constant 0 : i32
          %cond3A_224 = arith.cmpi ne, %convert_element_type3A_223, %cond3A : i32
          scf.if %cond3A_224 {
            %dma_start3A_225 = arith.constant 0 : i32
            %dma_start3A_226 = arith.constant 0 : i32
            %dma_start3A_227 = tpu.memref_slice %arg2[%dma_start3A_225, %dma_start3A_226] : memref<10000x128xf32, #tpu.memory_space<hbm>> -> memref<10000x128xf32, #tpu.memory_space<hbm>>
            tpu.enqueue_indirect_dma source(%dma_start3A_227 : memref<10000x128xf32, #tpu.memory_space<hbm>>) target(%arg12 : memref<128x128xf32, #tpu.memory_space<vmem>>) offsets(%arg10 : memref<128xi32, #tpu.memory_space<vmem>>) semaphore(%arg14 : memref<!tpu.dma_semaphore, #tpu.memory_space<semaphore_mem>>)
            %dma_wait3A_228 = arith.constant 0 : i32
            %dma_wait3A_229 = arith.constant 0 : i32
            %dma_wait3A_230 = tpu.memref_slice %arg2[%dma_wait3A_228, %dma_wait3A_229] : memref<10000x128xf32, #tpu.memory_space<hbm>> -> memref<10000x128xf32, #tpu.memory_space<hbm>>
            tpu.wait_indirect_dma semaphore(%arg14 : memref<!tpu.dma_semaphore, #tpu.memory_space<semaphore_mem>>) src(%dma_wait3A_230 : memref<10000x128xf32, #tpu.memory_space<hbm>>) dst(%arg12 : memref<128x128xf32, #tpu.memory_space<vmem>>)
            "tpu.region"() ({
              %run_scoped3A = tpu.sem_alloc : memref<!tpu.dma_semaphore, #tpu.memory_space<semaphore_mem>>
              %dma_start3A_295 = arith.constant 0 : i32
              %dma_start3A_296 = arith.constant 0 : i32
              %dma_start3A_297 = tpu.memref_slice %arg13[%dma_start3A_295, %dma_start3A_296] : memref<13057x128xf32, #tpu.memory_space<vmem_shared>> -> memref<13057x128xf32, #tpu.memory_space<vmem_shared>>
              tpu.enqueue_indirect_dma source(%arg12 : memref<128x128xf32, #tpu.memory_space<vmem>>) target(%dma_start3A_297 : memref<13057x128xf32, #tpu.memory_space<vmem_shared>>) offsets(%arg11 : memref<128xi32, #tpu.memory_space<vmem>>) semaphore(%run_scoped3A : memref<!tpu.dma_semaphore, #tpu.memory_space<semaphore_mem>>) {add = true}
              %dma_wait3A_298 = arith.constant 0 : i32
              %dma_wait3A_299 = arith.constant 0 : i32
              %dma_wait3A_300 = tpu.memref_slice %arg13[%dma_wait3A_298, %dma_wait3A_299] : memref<13057x128xf32, #tpu.memory_space<vmem_shared>> -> memref<13057x128xf32, #tpu.memory_space<vmem_shared>>
              tpu.wait_indirect_dma semaphore(%run_scoped3A : memref<!tpu.dma_semaphore, #tpu.memory_space<semaphore_mem>>) src(%arg12 : memref<128x128xf32, #tpu.memory_space<vmem>>) dst(%dma_wait3A_300 : memref<13057x128xf32, #tpu.memory_space<vmem_shared>>)
              tpu.yield
            }) : () -> ()
            %broadcast_in_dim3A_231 = arith.constant 0 : i32
            %broadcast_in_dim3A_232 = vector.broadcast %broadcast_in_dim3A_231 : i32 to vector<16xi32>
            %swap3A_233 = arith.constant 0 : index
            %swap3A_234 = tpu.vector_load %arg10[%swap3A_233] {strides = array<i32>} : memref<128xi32, #tpu.memory_space<vmem>>, vector<16xi32>,
            tpu.vector_store %arg10[%swap3A_233], %broadcast_in_dim3A_232 {strides = array<i32>} : memref<128xi32, #tpu.memory_space<vmem>>, vector<16xi32>,
            %broadcast_in_dim3A_235 = arith.constant 13056 : i32
            %broadcast_in_dim3A_236 = vector.broadcast %broadcast_in_dim3A_235 : i32 to vector<16xi32>
            %swap3A_237 = arith.constant 0 : index
            %swap3A_238 = tpu.vector_load %arg11[%swap3A_237] {strides = array<i32>} : memref<128xi32, #tpu.memory_space<vmem>>, vector<16xi32>,
            tpu.vector_store %arg11[%swap3A_237], %broadcast_in_dim3A_236 {strides = array<i32>} : memref<128xi32, #tpu.memory_space<vmem>>, vector<16xi32>,
            %broadcast_in_dim3A_239 = arith.constant 0 : i32
            %broadcast_in_dim3A_240 = vector.broadcast %broadcast_in_dim3A_239 : i32 to vector<16xi32>
            %swap3A_241 = arith.constant 16 : index
            %swap3A_242 = tpu.vector_load %arg10[%swap3A_241] {strides = array<i32>} : memref<128xi32, #tpu.memory_space<vmem>>, vector<16xi32>,
            tpu.vector_store %arg10[%swap3A_241], %broadcast_in_dim3A_240 {strides = array<i32>} : memref<128xi32, #tpu.memory_space<vmem>>, vector<16xi32>,
            %broadcast_in_dim3A_243 = arith.constant 13056 : i32
            %broadcast_in_dim3A_244 = vector.broadcast %broadcast_in_dim3A_243 : i32 to vector<16xi32>
            %swap3A_245 = arith.constant 16 : index
            %swap3A_246 = tpu.vector_load %arg11[%swap3A_245] {strides = array<i32>} : memref<128xi32, #tpu.memory_space<vmem>>, vector<16xi32>,
            tpu.vector_store %arg11[%swap3A_245], %broadcast_in_dim3A_244 {strides = array<i32>} : memref<128xi32, #tpu.memory_space<vmem>>, vector<16xi32>,
            %broadcast_in_dim3A_247 = arith.constant 0 : i32
            %broadcast_in_dim3A_248 = vector.broadcast %broadcast_in_dim3A_247 : i32 to vector<16xi32>
            %swap3A_249 = arith.constant 32 : index
            %swap3A_250 = tpu.vector_load %arg10[%swap3A_249] {strides = array<i32>} : memref<128xi32, #tpu.memory_space<vmem>>, vector<16xi32>,
            tpu.vector_store %arg10[%swap3A_249], %broadcast_in_dim3A_248 {strides = array<i32>} : memref<128xi32, #tpu.memory_space<vmem>>, vector<16xi32>,
            %broadcast_in_dim3A_251 = arith.constant 13056 : i32
            %broadcast_in_dim3A_252 = vector.broadcast %broadcast_in_dim3A_251 : i32 to vector<16xi32>
            %swap3A_253 = arith.constant 32 : index
            %swap3A_254 = tpu.vector_load %arg11[%swap3A_253] {strides = array<i32>} : memref<128xi32, #tpu.memory_space<vmem>>, vector<16xi32>,
            tpu.vector_store %arg11[%swap3A_253], %broadcast_in_dim3A_252 {strides = array<i32>} : memref<128xi32, #tpu.memory_space<vmem>>, vector<16xi32>,
            %broadcast_in_dim3A_255 = arith.constant 0 : i32
            %broadcast_in_dim3A_256 = vector.broadcast %broadcast_in_dim3A_255 : i32 to vector<16xi32>
            %swap3A_257 = arith.constant 48 : index
            %swap3A_258 = tpu.vector_load %arg10[%swap3A_257] {strides = array<i32>} : memref<128xi32, #tpu.memory_space<vmem>>, vector<16xi32>,
            tpu.vector_store %arg10[%swap3A_257], %broadcast_in_dim3A_256 {strides = array<i32>} : memref<128xi32, #tpu.memory_space<vmem>>, vector<16xi32>,
            %broadcast_in_dim3A_259 = arith.constant 13056 : i32
            %broadcast_in_dim3A_260 = vector.broadcast %broadcast_in_dim3A_259 : i32 to vector<16xi32>
            %swap3A_261 = arith.constant 48 : index
            %swap3A_262 = tpu.vector_load %arg11[%swap3A_261] {strides = array<i32>} : memref<128xi32, #tpu.memory_space<vmem>>, vector<16xi32>,
            tpu.vector_store %arg11[%swap3A_261], %broadcast_in_dim3A_260 {strides = array<i32>} : memref<128xi32, #tpu.memory_space<vmem>>, vector<16xi32>,
            %broadcast_in_dim3A_263 = arith.constant 0 : i32
            %broadcast_in_dim3A_264 = vector.broadcast %broadcast_in_dim3A_263 : i32 to vector<16xi32>
            %swap3A_265 = arith.constant 64 : index
            %swap3A_266 = tpu.vector_load %arg10[%swap3A_265] {strides = array<i32>} : memref<128xi32, #tpu.memory_space<vmem>>, vector<16xi32>,
            tpu.vector_store %arg10[%swap3A_265], %broadcast_in_dim3A_264 {strides = array<i32>} : memref<128xi32, #tpu.memory_space<vmem>>, vector<16xi32>,
            %broadcast_in_dim3A_267 = arith.constant 13056 : i32
            %broadcast_in_dim3A_268 = vector.broadcast %broadcast_in_dim3A_267 : i32 to vector<16xi32>
            %swap3A_269 = arith.constant 64 : index
            %swap3A_270 = tpu.vector_load %arg11[%swap3A_269] {strides = array<i32>} : memref<128xi32, #tpu.memory_space<vmem>>, vector<16xi32>,
            tpu.vector_store %arg11[%swap3A_269], %broadcast_in_dim3A_268 {strides = array<i32>} : memref<128xi32, #tpu.memory_space<vmem>>, vector<16xi32>,
            %broadcast_in_dim3A_271 = arith.constant 0 : i32
            %broadcast_in_dim3A_272 = vector.broadcast %broadcast_in_dim3A_271 : i32 to vector<16xi32>
            %swap3A_273 = arith.constant 80 : index
            %swap3A_274 = tpu.vector_load %arg10[%swap3A_273] {strides = array<i32>} : memref<128xi32, #tpu.memory_space<vmem>>, vector<16xi32>,
            tpu.vector_store %arg10[%swap3A_273], %broadcast_in_dim3A_272 {strides = array<i32>} : memref<128xi32, #tpu.memory_space<vmem>>, vector<16xi32>,
            %broadcast_in_dim3A_275 = arith.constant 13056 : i32
            %broadcast_in_dim3A_276 = vector.broadcast %broadcast_in_dim3A_275 : i32 to vector<16xi32>
            %swap3A_277 = arith.constant 80 : index
            %swap3A_278 = tpu.vector_load %arg11[%swap3A_277] {strides = array<i32>} : memref<128xi32, #tpu.memory_space<vmem>>, vector<16xi32>,
            tpu.vector_store %arg11[%swap3A_277], %broadcast_in_dim3A_276 {strides = array<i32>} : memref<128xi32, #tpu.memory_space<vmem>>, vector<16xi32>,
            %broadcast_in_dim3A_279 = arith.constant 0 : i32
            %broadcast_in_dim3A_280 = vector.broadcast %broadcast_in_dim3A_279 : i32 to vector<16xi32>
            %swap3A_281 = arith.constant 96 : index
            %swap3A_282 = tpu.vector_load %arg10[%swap3A_281] {strides = array<i32>} : memref<128xi32, #tpu.memory_space<vmem>>, vector<16xi32>,
            tpu.vector_store %arg10[%swap3A_281], %broadcast_in_dim3A_280 {strides = array<i32>} : memref<128xi32, #tpu.memory_space<vmem>>, vector<16xi32>,
            %broadcast_in_dim3A_283 = arith.constant 13056 : i32
            %broadcast_in_dim3A_284 = vector.broadcast %broadcast_in_dim3A_283 : i32 to vector<16xi32>
            %swap3A_285 = arith.constant 96 : index
            %swap3A_286 = tpu.vector_load %arg11[%swap3A_285] {strides = array<i32>} : memref<128xi32, #tpu.memory_space<vmem>>, vector<16xi32>,
            tpu.vector_store %arg11[%swap3A_285], %broadcast_in_dim3A_284 {strides = array<i32>} : memref<128xi32, #tpu.memory_space<vmem>>, vector<16xi32>,
            %broadcast_in_dim3A_287 = arith.constant 0 : i32
            %broadcast_in_dim3A_288 = vector.broadcast %broadcast_in_dim3A_287 : i32 to vector<16xi32>
            %swap3A_289 = arith.constant 112 : index
            %swap3A_290 = tpu.vector_load %arg10[%swap3A_289] {strides = array<i32>} : memref<128xi32, #tpu.memory_space<vmem>>, vector<16xi32>,
            tpu.vector_store %arg10[%swap3A_289], %broadcast_in_dim3A_288 {strides = array<i32>} : memref<128xi32, #tpu.memory_space<vmem>>, vector<16xi32>,
            %broadcast_in_dim3A_291 = arith.constant 13056 : i32
            %broadcast_in_dim3A_292 = vector.broadcast %broadcast_in_dim3A_291 : i32 to vector<16xi32>
            %swap3A_293 = arith.constant 112 : index
            %swap3A_294 = tpu.vector_load %arg11[%swap3A_293] {strides = array<i32>} : memref<128xi32, #tpu.memory_space<vmem>>, vector<16xi32>,
            tpu.vector_store %arg11[%swap3A_293], %broadcast_in_dim3A_292 {strides = array<i32>} : memref<128xi32, #tpu.memory_space<vmem>>, vector<16xi32>,
          } else {
          }
          %jit3A = arith.constant 0 : i32
          %select_n3A = arith.select %ge3A_222, %jit3A, %add3A_220 : i32
          scf.yield %select_n3A : i32
        }
        %scan3A_187 = arith.constant 125 : i32
        scf.yield %scan3A_186 : i32
      }
      %scan3A_101 = arith.constant 10 : i32
      %dma_start3A = arith.constant 0 : i32
      %dma_start3A_102 = arith.constant 0 : i32
      %dma_start3A_103 = tpu.memref_slice %arg2[%dma_start3A, %dma_start3A_102] : memref<10000x128xf32, #tpu.memory_space<hbm>> -> memref<10000x128xf32, #tpu.memory_space<hbm>>
      tpu.enqueue_indirect_dma source(%dma_start3A_103 : memref<10000x128xf32, #tpu.memory_space<hbm>>) target(%arg12 : memref<128x128xf32, #tpu.memory_space<vmem>>) offsets(%arg10 : memref<128xi32, #tpu.memory_space<vmem>>) semaphore(%arg14 : memref<!tpu.dma_semaphore, #tpu.memory_space<semaphore_mem>>)
      %dma_wait3A = arith.constant 0 : i32
      %dma_wait3A_104 = arith.constant 0 : i32
      %dma_wait3A_105 = tpu.memref_slice %arg2[%dma_wait3A, %dma_wait3A_104] : memref<10000x128xf32, #tpu.memory_space<hbm>> -> memref<10000x128xf32, #tpu.memory_space<hbm>>
      tpu.wait_indirect_dma semaphore(%arg14 : memref<!tpu.dma_semaphore, #tpu.memory_space<semaphore_mem>>) src(%dma_wait3A_105 : memref<10000x128xf32, #tpu.memory_space<hbm>>) dst(%arg12 : memref<128x128xf32, #tpu.memory_space<vmem>>)
      "tpu.region"() ({
        %run_scoped3A = tpu.sem_alloc : memref<!tpu.dma_semaphore, #tpu.memory_space<semaphore_mem>>
        %dma_start3A_177 = arith.constant 0 : i32
        %dma_start3A_178 = arith.constant 0 : i32
        %dma_start3A_179 = tpu.memref_slice %arg13[%dma_start3A_177, %dma_start3A_178] : memref<13057x128xf32, #tpu.memory_space<vmem_shared>> -> memref<13057x128xf32, #tpu.memory_space<vmem_shared>>
        tpu.enqueue_indirect_dma source(%arg12 : memref<128x128xf32, #tpu.memory_space<vmem>>) target(%dma_start3A_179 : memref<13057x128xf32, #tpu.memory_space<vmem_shared>>) offsets(%arg11 : memref<128xi32, #tpu.memory_space<vmem>>) semaphore(%run_scoped3A : memref<!tpu.dma_semaphore, #tpu.memory_space<semaphore_mem>>) {add = true}
        %dma_wait3A_180 = arith.constant 0 : i32
        %dma_wait3A_181 = arith.constant 0 : i32
        %dma_wait3A_182 = tpu.memref_slice %arg13[%dma_wait3A_180, %dma_wait3A_181] : memref<13057x128xf32, #tpu.memory_space<vmem_shared>> -> memref<13057x128xf32, #tpu.memory_space<vmem_shared>>
        tpu.wait_indirect_dma semaphore(%run_scoped3A : memref<!tpu.dma_semaphore, #tpu.memory_space<semaphore_mem>>) src(%arg12 : memref<128x128xf32, #tpu.memory_space<vmem>>) dst(%dma_wait3A_182 : memref<13057x128xf32, #tpu.memory_space<vmem_shared>>)
        tpu.yield
      }) : () -> ()
      %broadcast_in_dim3A_106 = arith.constant 0 : i32
      %broadcast_in_dim3A_107 = vector.broadcast %broadcast_in_dim3A_106 : i32 to vector<16xi32>
      %swap3A_108 = arith.constant 0 : index
      %swap3A_109 = tpu.vector_load %arg10[%swap3A_108] {strides = array<i32>} : memref<128xi32, #tpu.memory_space<vmem>>, vector<16xi32>,
      tpu.vector_store %arg10[%swap3A_108], %broadcast_in_dim3A_107 {strides = array<i32>} : memref<128xi32, #tpu.memory_space<vmem>>, vector<16xi32>,
      %broadcast_in_dim3A_110 = arith.constant 13056 : i32
      %broadcast_in_dim3A_111 = vector.broadcast %broadcast_in_dim3A_110 : i32 to vector<16xi32>
      %swap3A_112 = arith.constant 0 : index
      %swap3A_113 = tpu.vector_load %arg11[%swap3A_112] {strides = array<i32>} : memref<128xi32, #tpu.memory_space<vmem>>, vector<16xi32>,
      tpu.vector_store %arg11[%swap3A_112], %broadcast_in_dim3A_111 {strides = array<i32>} : memref<128xi32, #tpu.memory_space<vmem>>, vector<16xi32>,
      %broadcast_in_dim3A_114 = arith.constant 0 : i32
      %broadcast_in_dim3A_115 = vector.broadcast %broadcast_in_dim3A_114 : i32 to vector<16xi32>
      %swap3A_116 = arith.constant 16 : index
      %swap3A_117 = tpu.vector_load %arg10[%swap3A_116] {strides = array<i32>} : memref<128xi32, #tpu.memory_space<vmem>>, vector<16xi32>,
      tpu.vector_store %arg10[%swap3A_116], %broadcast_in_dim3A_115 {strides = array<i32>} : memref<128xi32, #tpu.memory_space<vmem>>, vector<16xi32>,
      %broadcast_in_dim3A_118 = arith.constant 13056 : i32
      %broadcast_in_dim3A_119 = vector.broadcast %broadcast_in_dim3A_118 : i32 to vector<16xi32>
      %swap3A_120 = arith.constant 16 : index
      %swap3A_121 = tpu.vector_load %arg11[%swap3A_120] {strides = array<i32>} : memref<128xi32, #tpu.memory_space<vmem>>, vector<16xi32>,
      tpu.vector_store %arg11[%swap3A_120], %broadcast_in_dim3A_119 {strides = array<i32>} : memref<128xi32, #tpu.memory_space<vmem>>, vector<16xi32>,
      %broadcast_in_dim3A_122 = arith.constant 0 : i32
      %broadcast_in_dim3A_123 = vector.broadcast %broadcast_in_dim3A_122 : i32 to vector<16xi32>
      %swap3A_124 = arith.constant 32 : index
      %swap3A_125 = tpu.vector_load %arg10[%swap3A_124] {strides = array<i32>} : memref<128xi32, #tpu.memory_space<vmem>>, vector<16xi32>,
      tpu.vector_store %arg10[%swap3A_124], %broadcast_in_dim3A_123 {strides = array<i32>} : memref<128xi32, #tpu.memory_space<vmem>>, vector<16xi32>,
      %broadcast_in_dim3A_126 = arith.constant 13056 : i32
      %broadcast_in_dim3A_127 = vector.broadcast %broadcast_in_dim3A_126 : i32 to vector<16xi32>
      %swap3A_128 = arith.constant 32 : index
      %swap3A_129 = tpu.vector_load %arg11[%swap3A_128] {strides = array<i32>} : memref<128xi32, #tpu.memory_space<vmem>>, vector<16xi32>,
      tpu.vector_store %arg11[%swap3A_128], %broadcast_in_dim3A_127 {strides = array<i32>} : memref<128xi32, #tpu.memory_space<vmem>>, vector<16xi32>,
      %broadcast_in_dim3A_130 = arith.constant 0 : i32
      %broadcast_in_dim3A_131 = vector.broadcast %broadcast_in_dim3A_130 : i32 to vector<16xi32>
      %swap3A_132 = arith.constant 48 : index
      %swap3A_133 = tpu.vector_load %arg10[%swap3A_132] {strides = array<i32>} : memref<128xi32, #tpu.memory_space<vmem>>, vector<16xi32>,
      tpu.vector_store %arg10[%swap3A_132], %broadcast_in_dim3A_131 {strides = array<i32>} : memref<128xi32, #tpu.memory_space<vmem>>, vector<16xi32>,
      %broadcast_in_dim3A_134 = arith.constant 13056 : i32
      %broadcast_in_dim3A_135 = vector.broadcast %broadcast_in_dim3A_134 : i32 to vector<16xi32>
      %swap3A_136 = arith.constant 48 : index
      %swap3A_137 = tpu.vector_load %arg11[%swap3A_136] {strides = array<i32>} : memref<128xi32, #tpu.memory_space<vmem>>, vector<16xi32>,
      tpu.vector_store %arg11[%swap3A_136], %broadcast_in_dim3A_135 {strides = array<i32>} : memref<128xi32, #tpu.memory_space<vmem>>, vector<16xi32>,
      %broadcast_in_dim3A_138 = arith.constant 0 : i32
      %broadcast_in_dim3A_139 = vector.broadcast %broadcast_in_dim3A_138 : i32 to vector<16xi32>
      %swap3A_140 = arith.constant 64 : index
      %swap3A_141 = tpu.vector_load %arg10[%swap3A_140] {strides = array<i32>} : memref<128xi32, #tpu.memory_space<vmem>>, vector<16xi32>,
      tpu.vector_store %arg10[%swap3A_140], %broadcast_in_dim3A_139 {strides = array<i32>} : memref<128xi32, #tpu.memory_space<vmem>>, vector<16xi32>,
      %broadcast_in_dim3A_142 = arith.constant 13056 : i32
      %broadcast_in_dim3A_143 = vector.broadcast %broadcast_in_dim3A_142 : i32 to vector<16xi32>
      %swap3A_144 = arith.constant 64 : index
      %swap3A_145 = tpu.vector_load %arg11[%swap3A_144] {strides = array<i32>} : memref<128xi32, #tpu.memory_space<vmem>>, vector<16xi32>,
      tpu.vector_store %arg11[%swap3A_144], %broadcast_in_dim3A_143 {strides = array<i32>} : memref<128xi32, #tpu.memory_space<vmem>>, vector<16xi32>,
      %broadcast_in_dim3A_146 = arith.constant 0 : i32
      %broadcast_in_dim3A_147 = vector.broadcast %broadcast_in_dim3A_146 : i32 to vector<16xi32>
      %swap3A_148 = arith.constant 80 : index
      %swap3A_149 = tpu.vector_load %arg10[%swap3A_148] {strides = array<i32>} : memref<128xi32, #tpu.memory_space<vmem>>, vector<16xi32>,
      tpu.vector_store %arg10[%swap3A_148], %broadcast_in_dim3A_147 {strides = array<i32>} : memref<128xi32, #tpu.memory_space<vmem>>, vector<16xi32>,
      %broadcast_in_dim3A_150 = arith.constant 13056 : i32
      %broadcast_in_dim3A_151 = vector.broadcast %broadcast_in_dim3A_150 : i32 to vector<16xi32>
      %swap3A_152 = arith.constant 80 : index
      %swap3A_153 = tpu.vector_load %arg11[%swap3A_152] {strides = array<i32>} : memref<128xi32, #tpu.memory_space<vmem>>, vector<16xi32>,
      tpu.vector_store %arg11[%swap3A_152], %broadcast_in_dim3A_151 {strides = array<i32>} : memref<128xi32, #tpu.memory_space<vmem>>, vector<16xi32>,
      %broadcast_in_dim3A_154 = arith.constant 0 : i32
      %broadcast_in_dim3A_155 = vector.broadcast %broadcast_in_dim3A_154 : i32 to vector<16xi32>
      %swap3A_156 = arith.constant 96 : index
      %swap3A_157 = tpu.vector_load %arg10[%swap3A_156] {strides = array<i32>} : memref<128xi32, #tpu.memory_space<vmem>>, vector<16xi32>,
      tpu.vector_store %arg10[%swap3A_156], %broadcast_in_dim3A_155 {strides = array<i32>} : memref<128xi32, #tpu.memory_space<vmem>>, vector<16xi32>,
      %broadcast_in_dim3A_158 = arith.constant 13056 : i32
      %broadcast_in_dim3A_159 = vector.broadcast %broadcast_in_dim3A_158 : i32 to vector<16xi32>
      %swap3A_160 = arith.constant 96 : index
      %swap3A_161 = tpu.vector_load %arg11[%swap3A_160] {strides = array<i32>} : memref<128xi32, #tpu.memory_space<vmem>>, vector<16xi32>,
      tpu.vector_store %arg11[%swap3A_160], %broadcast_in_dim3A_159 {strides = array<i32>} : memref<128xi32, #tpu.memory_space<vmem>>, vector<16xi32>,
      %broadcast_in_dim3A_162 = arith.constant 0 : i32
      %broadcast_in_dim3A_163 = vector.broadcast %broadcast_in_dim3A_162 : i32 to vector<16xi32>
      %swap3A_164 = arith.constant 112 : index
      %swap3A_165 = tpu.vector_load %arg10[%swap3A_164] {strides = array<i32>} : memref<128xi32, #tpu.memory_space<vmem>>, vector<16xi32>,
      tpu.vector_store %arg10[%swap3A_164], %broadcast_in_dim3A_163 {strides = array<i32>} : memref<128xi32, #tpu.memory_space<vmem>>, vector<16xi32>,
      %broadcast_in_dim3A_166 = arith.constant 13056 : i32
      %broadcast_in_dim3A_167 = vector.broadcast %broadcast_in_dim3A_166 : i32 to vector<16xi32>
      %swap3A_168 = arith.constant 112 : index
      %swap3A_169 = tpu.vector_load %arg11[%swap3A_168] {strides = array<i32>} : memref<128xi32, #tpu.memory_space<vmem>>, vector<16xi32>,
      tpu.vector_store %arg11[%swap3A_168], %broadcast_in_dim3A_167 {strides = array<i32>} : memref<128xi32, #tpu.memory_space<vmem>>, vector<16xi32>,
      %barrier3A_170 = arith.constant 0 : index
      tpu.barrier barrier_id(%barrier3A_170)
      %mul3A_171 = arith.constant 816 : i32
      %mul3A_172 = arith.muli %arg1, %mul3A_171 : i32
      %mul3A_173 = arith.constant 816 : i32
      %mul3A_174 = arith.muli %arg1, %mul3A_173 : i32
      %add3A_175 = arith.addi %mul3A_72, %mul3A_174 : i32
      "tpu.region"() ({
        %run_scoped3A = tpu.sem_alloc : memref<!tpu.dma_semaphore, #tpu.memory_space<semaphore_mem>>
        %dma_start3A_177 = arith.constant 0 : i32
        %dma_start3A_178 = tpu.memref_slice %arg6[%add3A_175, %dma_start3A_177] : memref<287232x128xf32, #tpu.memory_space<hbm>> -> memref<816x128xf32, #tpu.memory_space<hbm>>
        %dma_start3A_179 = arith.constant 0 : i32
        %dma_start3A_180 = tpu.memref_slice %arg13[%mul3A_172, %dma_start3A_179] : memref<13057x128xf32, #tpu.memory_space<vmem_shared>> -> memref<816x128xf32, #tpu.memory_space<vmem_shared>>
        tpu.enqueue_dma source(%dma_start3A_180 : memref<816x128xf32, #tpu.memory_space<vmem_shared>>) target(%dma_start3A_178 : memref<816x128xf32, #tpu.memory_space<hbm>>) target_semaphore(%run_scoped3A : memref<!tpu.dma_semaphore, #tpu.memory_space<semaphore_mem>>)
        %dma_wait3A_181 = arith.constant 0 : i32
        %dma_wait3A_182 = tpu.memref_slice %arg6[%add3A_175, %dma_wait3A_181] : memref<287232x128xf32, #tpu.memory_space<hbm>> -> memref<816x128xf32, #tpu.memory_space<hbm>>
        %dma_wait3A_183 = arith.constant 0 : i32
        %dma_wait3A_184 = tpu.memref_slice %arg13[%mul3A_172, %dma_wait3A_183] : memref<13057x128xf32, #tpu.memory_space<vmem_shared>> -> memref<816x128xf32, #tpu.memory_space<vmem_shared>>
        tpu.wait_dma2 semaphore(%run_scoped3A : memref<!tpu.dma_semaphore, #tpu.memory_space<semaphore_mem>>) src(%dma_wait3A_184 : memref<816x128xf32, #tpu.memory_space<vmem_shared>>) dst(%dma_wait3A_182 : memref<816x128xf32, #tpu.memory_space<hbm>>)
        tpu.yield
      }) : () -> ()
      %barrier3A_176 = arith.constant 0 : index
      tpu.barrier barrier_id(%barrier3A_176)
    }
    %scan3A_67 = arith.constant 11 : i32
    return
  }
}

</mosaic_0001>

<sc_bundles>
// kernel: _run.3.cloned.1.call-start
scs
__scs_entry_jumppad:
0x0: {  	(pc) =	sbr.rel $0x88, $3  }
0x1: {  	(tag) =	ssettag $0x0;
	lr =	simm.s32 $0x1  }
0x2: {  	[smem:$0x3F9D] =	sst lr;
	_ =	strace $0xD0000000  }
0x3: {  	_ = 	snop  }
0x4: {  	_ = 	snop  }
0x5: {  	_ = 	snop  }
0x6: {  	_ = 	snop  }
0x7: {  	_ = 	snop  }
__scs_overlays_trampoline_lowered:
0x8: {  	[smem:$0x3FAC] =	sst s0  }
0x9: {  	[smem:$0x3FAD] =	sst s1  }
0xa: {  	[smem:$0x3FAE] =	sst s2  }
0xb: {  	[smem:$0x3FAF] =	sst s3  }
0xc: {  	[smem:$0x3FB0] =	sst s4  }
0xd: {  	[smem:$0x3FB1] =	sst s5  }
0xe: {  	[smem:$0x3FB2] =	sst s6  }
0xf: {  	[smem:$0x3FB3] =	sst s7  }
0x10: {  	[smem:$0x3FB4] =	sst s8  }
0x11: {  	[smem:$0x3FB5] =	sst s9;
	s0 =	simm.s32 @!p0 $0x0  }
0x12: {  	s1 =	sld [smem:$0x3F9B];
	s0 =	simm.s32 @p0 $0x1  }
0x13: {  	[smem:$0x3FB6] =	sst s0;
	s0 =	simm.s32 @!p1 $0x0  }
0x14: {  	s2 =	sld [smem:$0x3F9A];
	s0 =	simm.s32 @p1 $0x1  }
0x15: {  	[smem:$0x3FB7] =	sst s0;
	s0 =	simm.s32 @!p2 $0x0  }
0x16: {  	s3 =	sld [smem:$0x3FDB];
	s0 =	simm.s32 @p2 $0x1  }
0x17: {  	s4 =	simm.s32 $0x1BF5;
	[smem:$0x3FB9] =	sst s0  }
0x18: {  	s0 =	sld [smem:$0x3F9C];
	_ =	swait.ge [sflag:s4], $0x0  }
0x19: {  	s7 =	sld [smem:$0x3F9D]  }
0x1a: {  	s8 =	sadd.s32 $0xFFFFE003, lr  }
0x1b: {  	s9 =	sadd.s32 $0xFFFFFEF7, lr;
	s5 =	simm.s32 $0xFFFFFFFF;
	p2 =	slt.u32 s8, $0xFFFFF086  }
0x1c: {  	p1 =	slt.u32 s9, $0xF7A;
	s5 =	simm.s32 @!p2 $0x0  }
0x1d: {  	s5 =	simm.s32 @p1 $0x1;
	p0 =	seq.s32 s7, s2  }
0x1e: {  	s7 =	smul.u32 @!p0 $0xF7A, s2;
	p2 =	seq.s32 @!p0 s5, $0x0  }
0x1f: {  	s9 =	smul.u32 $0xF7A, s1;
	s8 =	simm.s32 @!p0 $0x1BF5;
	p2 =	por !p2, p0  }
0x20: {  	[sflag:s8] =	ssyncset.s32 @!p0 $0xFFFFF086;
	s6 =	sadd.s32 @!p0 s3, s7;
	s7 =	simm.s32 @!p0 $0x108  }
0x21: {  	s3 =	sadd.s32 s3, s9;
	s6 =	sadd.s32 @!p0 $0x88, s6;
	s7 =	simm.s32 @p2 $0x1082  }
0x22: {  	[simem:s7], [sflag:s8] =	dma.local @!p0 [hbm:s6], $0xF7A  }
0x23: {  	s9 =	sor.u32 $0xD0000000, s2;
	s6 =	simm.s32 $0x108;
	_ =	swait.ge @!p0 [sflag:s8], $0x0  }
0x24: {  	s3 =	sadd.s32 $0x88, s3;
	s6 =	simm.s32 @!p1 $0x1082;
	[sflag:s4] =	ssyncset.s32 $0xFFFFF086  }
0x25: {  	[simem:s6], [sflag:s4] =	dma.local [hbm:s3], $0xF7A  }
0x26: {  	[smem:$0x3F9D] =	sst s1;
	(tag) =	ssettag s2;
	_ =	strace s9  }
0x27: {  	s1 =	sld [smem:$0x3FAD]  }
0x28: {  	s2 =	sld [smem:$0x3FAE]  }
0x29: {  	s4 =	sld [smem:$0x3FB0]  }
0x2a: {  	p0 =	seq.s32 s5, $0x0;
	s5 =	sld [smem:$0x3FB1]  }
0x2b: {  	s6 =	sld [smem:$0x3FB2]  }
0x2c: {  	s7 =	sld [smem:$0x3FB3]  }
0x2d: {  	s3 =	simm.s32 $0x108;
	s8 =	sld [smem:$0x3FB4]  }
0x2e: {  	s3 =	simm.s32 @!p0 $0x1082;
	s9 =	sld [smem:$0x3FB5]  }
0x2f: {  	lr =	sadd.s32 s0, s3;
	s0 =	sld [smem:$0x3FAC]  }
0x30: {  	s3 =	sld [smem:$0x3FAF]  }
0x31: {  	[smem:$0x3FB8] =	sst s10  }
0x32: {  	s10 =	sld [smem:$0x3FB6];
	_ =	sdelay $0x3  }
0x33: {  	p0 =	seq.s32 s10, $0x1;
	s10 =	sld [smem:$0x3FB8];
	_ =	sdelay $0x3  }
0x34: {  	[smem:$0x3FB8] =	sst s10  }
0x35: {  	s10 =	sld [smem:$0x3FB7];
	_ =	sdelay $0x3  }
0x36: {  	p1 =	seq.s32 s10, $0x1;
	s10 =	sld [smem:$0x3FB8];
	_ =	sdelay $0x3  }
0x37: {  	[smem:$0x3FB8] =	sst s10  }
0x38: {  	s10 =	sld [smem:$0x3FB9]  }
0x39: {  	_ = 	snop;
	(pc) =	sbr.ind lr, $3  }
0x3a: {  	_ = 	snop  }
0x3b: {  	_ = 	snop  }
0x3c: {  	p2 =	seq.s32 s10, $0x1;
	s10 =	sld [smem:$0x3FB8]  }
0x3d: {  	_ =	shalt  }
0x3e: {  	_ =	shalt  }
0x3f: {  	_ =	shalt  }
0x40: {  	_ =	shalt  }
0x41: {  	_ =	shalt  }
0x42: {  	_ =	shalt  }
0x43: {  	_ =	shalt  }
0x44: {  	_ =	shalt  }
0x45: {  	_ =	shalt  }
0x46: {  	_ =	shalt  }
0x47: {  	_ =	shalt  }
0x48: {  	_ =	shalt  }
0x49: {  	_ =	shalt  }
0x4a: {  	_ =	shalt  }
0x4b: {  	_ =	shalt  }
0x4c: {  	_ =	shalt  }
0x4d: {  	_ =	shalt  }
0x4e: {  	_ =	shalt  }
0x4f: {  	_ =	shalt  }
0x50: {  	_ =	shalt  }
0x51: {  	_ =	shalt  }
0x52: {  	_ =	shalt  }
0x53: {  	_ =	shalt  }
0x54: {  	_ =	shalt  }
0x55: {  	_ =	shalt  }
0x56: {  	_ =	shalt  }
0x57: {  	_ =	shalt  }
0x58: {  	_ =	shalt  }
0x59: {  	_ =	shalt  }
0x5a: {  	_ =	shalt  }
0x5b: {  	_ =	shalt  }
0x5c: {  	_ =	shalt  }
0x5d: {  	_ =	shalt  }
0x5e: {  	_ =	shalt  }
0x5f: {  	_ =	shalt  }
0x60: {  	_ =	shalt  }
0x61: {  	_ =	shalt  }
0x62: {  	_ =	shalt  }
0x63: {  	_ =	shalt  }
0x64: {  	_ =	shalt  }
0x65: {  	_ =	shalt  }
0x66: {  	_ =	shalt  }
0x67: {  	_ =	shalt  }
0x68: {  	_ =	shalt  }
0x69: {  	_ =	shalt  }
0x6a: {  	_ =	shalt  }
0x6b: {  	_ =	shalt  }
0x6c: {  	_ =	shalt  }
0x6d: {  	_ =	shalt  }
0x6e: {  	_ =	shalt  }
0x6f: {  	_ =	shalt  }
0x70: {  	_ =	shalt  }
0x71: {  	_ =	shalt  }
0x72: {  	_ =	shalt  }
0x73: {  	_ =	shalt  }
0x74: {  	_ =	shalt  }
0x75: {  	_ =	shalt  }
0x76: {  	_ =	shalt  }
0x77: {  	_ =	shalt  }
0x78: {  	_ =	shalt  }
0x79: {  	_ =	shalt  }
0x7a: {  	_ =	shalt  }
0x7b: {  	_ =	shalt  }
0x7c: {  	_ =	shalt  }
0x7d: {  	_ =	shalt  }
0x7e: {  	_ =	shalt  }
0x7f: {  	_ =	shalt  }
0x80: {  	_ =	shalt  }
0x81: {  	_ =	shalt  }
0x82: {  	_ =	shalt  }
0x83: {  	_ =	shalt  }
0x84: {  	_ =	shalt  }
0x85: {  	_ =	shalt  }
0x86: {  	_ =	shalt  }
0x87: {  	_ =	shalt  }
.Lfunc_end0:
.L_simem_size_0:
called_computation_lowered:
.L_overlay_start_0:
0x88: {  	s2 =	sld [smem:$0x3FD9]  }
0x89: {  	s3 =	sld [smem:$0x3FFE];
	_ =	sdelay $0x1  }
0x8a: {  	s1 =	srdreg.scid  }
0x8b: {  	s0 =	sand.u32 $0x1, s1  }
0x8c: {  	s18 =	sshll.u32 s0, $0xA;
	s2 =	sadd.s32 s3, s2  }
0x8d: {  	s2 =	sadd.s32 s2, s18  }
0x8e: {  	[smem:$0x3FC4] =	sst s2  }
0x8f: {  	_ = 	snop  }
0x90: {  	s2 =	sld [smem:$0x3FC9]  }
0x91: {  	s19 =	sld [smem:$0x3FC8]  }
0x92: {  	s4 =	sld [smem:$0x3FC7]  }
0x93: {  	s5 =	sld [smem:$0x3FC6]  }
0x94: {  	s6 =	sld [smem:$0x3FD0];
	(tm) =	ssettm $0x1  }
0x95: {  	s7 =	sld [smem:$0x3FFB];
	_ =	sdelay $0x3  }
0x96: {  	_ =	strace s7  }
0x97: {  	s7 =	sld [smem:$0x3FFC];
	_ =	sdelay $0x3  }
0x98: {  	_ =	strace s7  }
0x99: {  	s7 =	sld [smem:$0x3FFD];
	_ =	sdelay $0x3  }
0x9a: {  	_ =	strace s7  }
0x9b: {  	_ =	strace $0x8FFFFFFF  }
0x9c: {  	s20 =	sld [smem:$0x3FDB];
	_ =	sdelay $0x1  }
0x9d: {  	s8 =	simm.s32 $_scs_section_size  }
0x9e: {  	s9 =	simm.s32 $_size__tile_overlayer_lowered;
	s10 =	simm.s32 $_tile_overlayer_lowered  }
0x9f: {  	s23 =	simm.s32 $0x1BFF;
	s22 =	sshll.u32 s10, $0x1;
	s7 =	sadd.s32 s8, s20  }
0xa0: {  	s11 =	simm.s32 $0x0;
	s21 =	sshll.u32 s9, $0x1;
	s9 =	sadd.s32 s22, s7  }
0xa1: {  	[timem:s11], [sflag:s23] =	dma.local [hbm:s9], s21  }
0xa2: {  	_ =	swait.ge [sflag:s23], s21  }
0xa3: {  	s8 =	ssub.s32 $0x0, s21;
	[sflag:s23] =	ssyncset.done $0x0  }
0xa4: {  	[sflag:s23] =	ssyncadd.s32 s8;
	_ =	sdelay $0x1  }
0xa5: {  	s24 =	simm.s32 $0x1B8B  }
0xa6: {  	_ =	swait.ge [sflag:s24], $0x1  }
0xa7: {  	[sflag:s24] =	ssyncset.done $0x0  }
0xa8: {  	s25 =	simm.s32 $0x1B8E;
	[sflag:s24] =	ssyncadd.s32 $0xFFFFFFFF  }
0xa9: {  	s26 =	simm.s32 $execute0_lowered;
	[smem:$0x3FD2] =	sst s25  }
0xaa: {  	s8 =	sshll.u32 s26, $0x1;
	_ =	strace $0x80000046;
	[dreg:$0x1] =	wrdreg $0xFFFFFFFF  }
0xab: {  	s28 =	simm.s32 $_size_execute0_lowered;
	s7 =	sadd.s32 s7, s8;
	[dreg:$0x0] =	wrdreg $0x0  }
0xac: {  	s8 =	sshll.u32 s28, $0x1;
	[dreg:$0x2] =	wrdreg s7  }
0xad: {  	[dreg:$0x3] =	wrdreg s8  }
0xae: {  	[dreg:$0x4] =	wrdreg $0xC0  }
0xaf: {  	_ =	task [dreg:s11], $0x5FFFF  }
0xb0: {  	[dreg:$0x1] =	wrdreg $0xFFFFFFFF  }
0xb1: {  	[dreg:$0x0] =	wrdreg $0x60  }
0xb2: {  	[dreg:$0x2] =	wrdreg s2  }
0xb3: {  	[dreg:$0x3] =	wrdreg s19  }
0xb4: {  	[dreg:$0x4] =	wrdreg s4  }
0xb5: {  	[dreg:$0x5] =	wrdreg s5  }
0xb6: {  	[dreg:$0x6] =	wrdreg s6  }
0xb7: {  	[dreg:$0x7] =	wrdreg $0x59000  }
0xb8: {  	[dreg:$0x8] =	wrdreg $0x9  }
0xb9: {  	_ =	task.clear_ibuf [dreg:s11], $0x9FFFF;
	_ =	strace $0x90000046  }
0xba: {  	s29 =	simm.s32 $0x9;
	_ =	strace $0x80000048  }
0xbb: {  	_ =	swait.ge [sflag:s29], $0x1  }
0xbc: {  	[sflag:s29] =	ssyncadd.s32 $0xFFFFFFFF  }
0xbd: {  	_ =	strace $0x90000048  }
0xbe: {  	_ =	sfence  }
0xbf: {  	s30 =	sld [smem:$0x0];
	_ =	sdelay $0x2  }
0xc0: {  	s31 =	sshll.u32 s1, $0xD;
	s1 =	sshrl.u32 s1, $0x2  }
0xc1: {  	s3 =	sand.u32 $0x4000, s31;
	s1 =	sadd.s32 s1, s30  }
0xc2: {  	s0 =	sor.u32 s3, s0;
	s1 =	sshll.u32 s1, $0x11  }
0xc3: {  	s0 =	sor.u32 s1, s0  }
0xc4: {  	s0 =	sadd.s32 $0x8F2B, s0  }
0xc5: {  	[sflag:s0] =	ssyncadd.remote.s32 $0x1  }
0xc6: {  	_ =	sfence.sel $0xFFFF  }
0xc7: {  	[dreg:$0x0] =	wrdreg $0xFFFFFFFF;
	(pc) =	sbr.abs _section_cstart, $3  }
0xc8: {  	[dreg:$0x1] =	wrdreg $0xFFFFFFFF  }
0xc9: {  	_ =	task.clear_ibuf [dreg:s11], $0x2FFFF;
	_ =	strace $0x9FFFFFFF  }
0xca: {  	(tm) =	ssettm $0x7FFFFFFF  }
0xcb: {  	_ =	shalt  }
tec
execute0_lowered:
.L_overlay_start_1:
0x0: {  	(tag) =	ssettag $0x1  }
0x1: {  	s1 =	rddreg [dreg:$0x0]  }
0x2: {  	s2 =	rddreg [dreg:$0x1]  }
0x3: {  	s3 =	rddreg [dreg:$0x2]  }
0x4: {  	s4 =	rddreg [dreg:$0x3]  }
0x5: {  	s7 =	rddreg [dreg:$0x5];
	s10 =	simm.s32 $0x0  }
0x6: {  	s0 =	srdreg.scid;
	s6 =	stileid.u32;
	s20 =	simm.s32 $0x1900  }
0x7: {  	s21 =	simm.s32 $0x2;
	s22 =	simm.s32 $0x800;
	s23 =	simm.s32 $0x1000  }
0x8: {  	s24 =	simm.s32 $0x1800;
	s25 =	simm.s32 $0x1880;
	s5 =	smul.u32 $0x66000, s6  }
0x9: {  	s28 =	simm.s32 $0x1;
	s31 =	simm.s32 $0x0;
	s9 =	smul.u32 $0x4E20, s6  }
0xa: {  	[smem:$0x7FF] =	sst s10;
	s0 =	sand.u32 $0x1, s0;
	s6 =	smul.u32 $0x330, s6  }
0xb: {  	_ =	strace $0x80000047;
	s8 =	ssub.s32 $0x2, s0;
	s0 =	smul.u32 $0xB, s0  }
0xc: {  	s11 =	sshrl.u32 s8, $0x1;
	s26 =	sshrl.u32 s5, $0x2;
	[dreg:$0x9] =	wrdreg s6  }
0xd: {  	[dreg:$0x8] =	wrdreg s0;
	s29 =	ssub.s32 s8, s11;
	s12 =	sadd.s32 s26, s7  }
0xe: {  	s26 =	simm.s32 $0x80;
	s13 =	sadd.s32 $0x4000, s12;
	s14 =	sadd.s32 $0x8000, s12  }
0xf: {  	s15 =	sadd.s32 $0xC000, s12;
	s16 =	sadd.s32 $0x10000, s12;
	s30 =	smax.u32 s29, $0x1  }
0x10: {  	v0 =	vimm.s32 $0x0;
	v1 =	vimm.s32 $0x3300;
	v2 =	vimm.f32 $0.0e+00;
	s17 =	sadd.s32 $0x14000, s12;
	s18 =	sadd.s32 $0x18000, s12;
	[dreg:$0xa] =	wrdreg s30  }
.LBB2_1:
0x11: {  	[tilespmem:$0x1800] =	vst v0  }
0x12: {  	[tilespmem:$0x1880] =	vst v1  }
0x13: {  	[tilespmem:$0x1810] =	vst v0  }
0x14: {  	[tilespmem:$0x1890] =	vst v1  }
0x15: {  	[tilespmem:$0x1820] =	vst v0  }
0x16: {  	[tilespmem:$0x18A0] =	vst v1  }
0x17: {  	[tilespmem:$0x1830] =	vst v0  }
0x18: {  	[tilespmem:$0x18B0] =	vst v1  }
0x19: {  	[tilespmem:$0x1840] =	vst v0  }
0x1a: {  	[tilespmem:$0x18C0] =	vst v1  }
0x1b: {  	[tilespmem:$0x1850] =	vst v0  }
0x1c: {  	[tilespmem:$0x18D0] =	vst v1  }
0x1d: {  	[tilespmem:$0x1860] =	vst v0  }
0x1e: {  	[tilespmem:$0x18E0] =	vst v1  }
0x1f: {  	[tilespmem:$0x1870] =	vst v0  }
0x20: {  	[dreg:$0x7] =	wrdreg s10;
	[tilespmem:$0x18F0] =	vst v1;
	s29 =	simm.s32 $0x0  }
.LBB2_2:
0x21: {  	s0 =	simm.s32 $0x0;
	s8 =	simm.s32 $0x200  }
.LBB2_3:
0x22: {  	p0 =	sne.s32 s8, $0xFE00;
	[tilespmem:s0+$0x1970] =	vst v2  }
0x23: {  	[tilespmem:s0+$0x1900] =	vst v2  }
0x24: {  	[tilespmem:s0+$0x1910] =	vst v2  }
.Ltmp0:
0x25: {  	[tilespmem:s0+$0x1920] =	vst v2;
	(pc) =	sbr.rel @p0 .LBB2_3-.Ltmp0, $4  }
0x26: {  	[tilespmem:s0+$0x1930] =	vst v2  }
0x27: {  	[tilespmem:s0+$0x1940] =	vst v2  }
0x28: {  	[tilespmem:s0+$0x1950] =	vst v2  }
0x29: {  	[tilespmem:s0+$0x1960] =	vst v2;
	s0 =	sshra.s32 s8, $0x2;
	s8 =	sadd.s32 $0x200, s8  }
0x2a: {  	[tilespmem:s0+$0x1970] =	vst v2  }
0x2b: {  	[tilespmem:s0+$0x1900] =	vst v2  }
0x2c: {  	[tilespmem:s0+$0x1910] =	vst v2  }
0x2d: {  	[tilespmem:s0+$0x1920] =	vst v2  }
0x2e: {  	[tilespmem:s0+$0x1930] =	vst v2  }
0x2f: {  	[tilespmem:s0+$0x1940] =	vst v2  }
0x30: {  	[tilespmem:s0+$0x1950] =	vst v2  }
0x31: {  	[tilespmem:s0+$0x1960] =	vst v2  }
0x32: {  	[spmem:s12] =	stream.linear.scatter [tilespmem:s20], [sflag:$0x2], $0x4000, $0x38;
	[tilespmem:$0x1F108] =	vst v63  }
0x33: {  	_ =	swait.ge [sflag:s21], $0x4000  }
0x34: {  	[sflag:s21] =	ssyncset.done $0x0  }
0x35: {  	[sflag:s21] =	ssyncadd.s32 $0xFFFFC000  }
0x36: {  	[spmem:s13] =	stream.linear.scatter [tilespmem:s20], [sflag:$0x2], $0x4000, $0x38;
	[tilespmem:$0x1F108] =	vst v63  }
0x37: {  	_ =	swait.ge [sflag:s21], $0x4000  }
0x38: {  	[sflag:s21] =	ssyncset.done $0x0  }
0x39: {  	[sflag:s21] =	ssyncadd.s32 $0xFFFFC000  }
0x3a: {  	[spmem:s14] =	stream.linear.scatter [tilespmem:s20], [sflag:$0x2], $0x4000, $0x38;
	[tilespmem:$0x1F108] =	vst v63  }
0x3b: {  	_ =	swait.ge [sflag:s21], $0x4000  }
0x3c: {  	[sflag:s21] =	ssyncset.done $0x0  }
0x3d: {  	[sflag:s21] =	ssyncadd.s32 $0xFFFFC000  }
0x3e: {  	[spmem:s15] =	stream.linear.scatter [tilespmem:s20], [sflag:$0x2], $0x4000, $0x38;
	[tilespmem:$0x1F108] =	vst v63  }
0x3f: {  	_ =	swait.ge [sflag:s21], $0x4000  }
0x40: {  	[sflag:s21] =	ssyncset.done $0x0  }
0x41: {  	[sflag:s21] =	ssyncadd.s32 $0xFFFFC000  }
0x42: {  	[spmem:s16] =	stream.linear.scatter [tilespmem:s20], [sflag:$0x2], $0x4000, $0x38;
	[tilespmem:$0x1F108] =	vst v63  }
0x43: {  	_ =	swait.ge [sflag:s21], $0x4000  }
0x44: {  	[sflag:s21] =	ssyncset.done $0x0  }
0x45: {  	[sflag:s21] =	ssyncadd.s32 $0xFFFFC000  }
0x46: {  	[spmem:s17] =	stream.linear.scatter [tilespmem:s20], [sflag:$0x2], $0x4000, $0x38;
	[tilespmem:$0x1F108] =	vst v63  }
0x47: {  	_ =	swait.ge [sflag:s21], $0x4000  }
0x48: {  	[sflag:s21] =	ssyncset.done $0x0;
	s19 =	rddreg [dreg:$0x8]  }
0x49: {  	s0 =	sadd.s32 s19, s29;
	[sflag:s21] =	ssyncadd.s32 $0xFFFFC000  }
0x4a: {  	[spmem:s18] =	stream.linear.scatter [tilespmem:s20], [sflag:$0x2], $0x1800, $0x38;
	[tilespmem:$0x1F108] =	vst v63  }
0x4b: {  	s30 =	smul.u32 $0x3300, s0  }
0x4c: {  	_ =	swait.ge [sflag:s21], $0x1800  }
0x4d: {  	[sflag:s21] =	ssyncset.done $0x0;
	v3 =	vmov s30  }
0x4e: {  	[sflag:s21] =	ssyncadd.s32 $0xFFFFE800;
	v3 =	vsub.s32 $0x0, v3  }
0x4f: {  	s19 =	simm.s32 $0x0;
	s0 =	simm.s32 $0x0;
	[bflag:$0x0] =	sbarrier.arrive $0xFFFF;
	v3 =	vbroadcast v3, $0x0  }
.LBB2_5:
0x50: {  	s5 =	smul.u32 $0x7D0, s19;
	_ =	sdelay $0x1  }
0x51: {  	s5 =	sadd.s32 s9, s5  }
0x52: {  	s5 =	sshrl.u32 s5, $0x3  }
0x53: {  	s8 =	sadd.s32 s2, s5  }
0x54: {  	[tilespmem:s31], [sflag:$0x2] =	stream.linear.gather [hbm4b:s8+s31], $0x7D0, $0x38;
	[tilespmem:$0x1F108] =	vst v63  }
0x55: {  	_ =	swait.ge [sflag:s21], $0x7D0  }
0x56: {  	[sflag:s21] =	ssyncset.done $0x0  }
0x57: {  	s6 =	sadd.s32 s3, s5;
	[sflag:s21] =	ssyncadd.s32 $0xFFFFF830  }
0x58: {  	[tilespmem:s22], [sflag:$0x2] =	stream.linear.gather [hbm4b:s6+s31], $0x7D0, $0x38;
	[tilespmem:$0x1F108] =	vst v63  }
0x59: {  	_ =	swait.ge [sflag:s21], $0x7D0  }
0x5a: {  	[sflag:s21] =	ssyncset.done $0x0  }
0x5b: {  	s5 =	sadd.s32 s4, s5;
	[sflag:s21] =	ssyncadd.s32 $0xFFFFF830  }
0x5c: {  	[tilespmem:s23], [sflag:$0x2] =	stream.linear.gather [hbm4b:s5+s31], $0x7D0, $0x38;
	[tilespmem:$0x1F108] =	vst v63  }
0x5d: {  	_ =	swait.ge [sflag:s21], $0x7D0  }
0x5e: {  	[sflag:s21] =	ssyncset.done $0x0  }
0x5f: {  	s8 =	simm.s32 $0x0;
	[sflag:s21] =	ssyncadd.s32 $0xFFFFF830  }
0x60: {  	v4 =	vld [tilespmem:s8+$0x800]  }
0x61: {  	v5 =	vld [tilespmem:s8+$0x1000];
	_ =	sdelay $0x3  }
0x62: {  	v4 =	vmul.u32 $0x1B, v4  }
0x63: {  	v5 =	vadd.s32 v3, v5  }
0x64: {  	v4 =	vadd.s32 v4, v5  }
0x65: {  	vm0 =	vlt.u32 v4, $0x3300  }
0x66: {  	v5 =	vsel vm0, $0x1, v0  }
0x67: {  	(xrf0) =	vadd.scan.msk.s32 $0xffff, v5;
	_ =	sdelay $0x5  }
0x68: {  	v5, _, _ =	vpop (xrf0)  }
0x69: {  	(v2sf) =	vpush v5, $0xF;
	_ =	sdelay $0xa  }
0x6a: {  	s10 =	sadd.s32 $0xFFFFFFFF, s0  }
0x6b: {  	v6 =	vld [tilespmem:s8+$0x0];
	v5 =	vadd.s32 s10, v5;
	_ =	sdelay $0x2  }
0x6c: {  	s11 =	spop (v2sf)  }
0x6d: {  	s0 =	sadd.s32 s0, s11  }
0x6e: {  	[tilespmem:v5+s24+$0x0] =	vst.idx.msk vm0, v6;
	p1 =	slt.s32 s0, $0x70  }
0x6f: {  	[tilespmem:v5+s25+$0x0] =	vst.idx.msk vm0, v4;
	s8 =	simm.s32 @!p1 $0x80;
	s5 =	simm.s32 @!p1 $0x1800;
	s6 =	simm.s32 @!p1 $0x1900  }
0x70: {  	[tilespmem:s6], [sflag:$0x1] =	stream.indirect.gather @!p1 [hbm4b:s1+s8], $0x80, s5, s8, $0xb8;
	[tilespmem:$0x1F108] =	vst v63  }
0x71: {  	s5 =	simm.s32 @!p1 $0x1  }
0x72: {  	_ =	swait.ge @!p1 [sflag:s5], $0x4000  }
0x73: {  	[sflag:s5] =	ssyncset.done @!p1 $0x0  }
0x74: {  	s10 =	simm.s32 @!p1 $0x1880;
	[sflag:s5] =	ssyncadd.s32 @!p1 $0xFFFFC000;
	s5 =	simm.s32 @!p1 $0x2  }
0x75: {  	[spmem:s7] =	stream.indirect.scatter.add.f32 @!p1 [tilespmem:s6], [sflag:$0x2], $0x80, s10, s8, $0xb8;
	[tilespmem:$0x1F108] =	vst v63  }
0x76: {  	_ =	swait.ge @!p1 [sflag:s5], $0x4000  }
0x77: {  	v4 =	vimm.s32 @!p1 $0x0;
	s0 =	simm.s32 @!p1 $0x0;
	s8 =	simm.s32 $0x40;
	[sflag:s5] =	ssyncset.done @!p1 $0x0  }
.LBB2_6:
0x78: {  	[sflag:s5] =	ssyncadd.s32 @!p1 $0xFFFFC000;
	s5 =	smov.u32 s8;
	s8 =	sadd.s32 $0x40, s8  }
0x79: {  	v5 =	vimm.s32 @!p1 $0x3300;
	p0 =	sne.s32 s8, $0x1F40;
	[tilespmem:$0x1800] =	vst @!p1 v4  }
0x7a: {  	[tilespmem:$0x18F0] =	vst @!p1 v5  }
0x7b: {  	[tilespmem:$0x1870] =	vst @!p1 v4  }
0x7c: {  	[tilespmem:$0x18E0] =	vst @!p1 v5  }
0x7d: {  	[tilespmem:$0x1860] =	vst @!p1 v4  }
0x7e: {  	[tilespmem:$0x18D0] =	vst @!p1 v5  }
0x7f: {  	[tilespmem:$0x1850] =	vst @!p1 v4  }
0x80: {  	[tilespmem:$0x18C0] =	vst @!p1 v5  }
0x81: {  	[tilespmem:$0x1840] =	vst @!p1 v4  }
0x82: {  	[tilespmem:$0x18B0] =	vst @!p1 v5  }
0x83: {  	[tilespmem:$0x1830] =	vst @!p1 v4  }
0x84: {  	[tilespmem:$0x1820] =	vst @!p1 v4  }
0x85: {  	[tilespmem:$0x1810] =	vst @!p1 v4  }
0x86: {  	[tilespmem:$0x18A0] =	vst @!p1 v5  }
0x87: {  	[tilespmem:$0x1890] =	vst @!p1 v5  }
0x88: {  	s5 =	sshra.s32 s5, $0x2;
	[tilespmem:$0x1880] =	vst @!p1 v5  }
0x89: {  	v4 =	vld [tilespmem:s5+$0x800]  }
0x8a: {  	v5 =	vld [tilespmem:s5+$0x1000];
	_ =	sdelay $0x3  }
0x8b: {  	v4 =	vmul.u32 $0x1B, v4  }
0x8c: {  	v5 =	vadd.s32 v3, v5  }
0x8d: {  	v4 =	vadd.s32 v4, v5  }
0x8e: {  	vm0 =	vlt.u32 v4, $0x3300  }
0x8f: {  	v5 =	vsel vm0, $0x1, v0  }
0x90: {  	(xrf0) =	vadd.scan.msk.s32 $0xffff, v5;
	_ =	sdelay $0x5  }
0x91: {  	s6 =	sadd.s32 $0xFFFFFFFF, s0;
	v5, _, _ =	vpop (xrf0)  }
0x92: {  	v6 =	vld [tilespmem:s5+$0x0];
	v7 =	vadd.s32 s6, v5;
	(v2sf) =	vpush v5, $0xF;
	_ =	sdelay $0x4  }
0x93: {  	[tilespmem:v7+s24+$0x0] =	vst.idx.msk vm0, v6  }
0x94: {  	[tilespmem:v7+s25+$0x0] =	vst.idx.msk vm0, v4;
	_ =	sdelay $0x8  }
0x95: {  	s5 =	spop (v2sf)  }
0x96: {  	s0 =	sadd.s32 s0, s5  }
0x97: {  	p1 =	slt.s32 s0, $0x70  }
0x98: {  	s6 =	simm.s32 @!p1 $0x80;
	s5 =	simm.s32 @!p1 $0x1800;
	s10 =	simm.s32 @!p1 $0x1900;
	v4 =	vimm.s32 @!p1 $0x0  }
0x99: {  	[tilespmem:s10], [sflag:$0x1] =	stream.indirect.gather @!p1 [hbm4b:s1+s6], $0x80, s5, s6, $0xb8;
	[tilespmem:$0x1F108] =	vst v63  }
0x9a: {  	s0 =	simm.s32 @!p1 $0x0;
	s5 =	simm.s32 @!p1 $0x1  }
0x9b: {  	_ =	swait.ge @!p1 [sflag:s5], $0x4000  }
.Ltmp1:
0x9c: {  	[sflag:s5] =	ssyncset.done @!p1 $0x0;
	(pc) =	sbr.rel @p0 .LBB2_6-.Ltmp1, $4  }
0x9d: {  	s11 =	simm.s32 @!p1 $0x1880;
	[sflag:s5] =	ssyncadd.s32 @!p1 $0xFFFFC000;
	s5 =	simm.s32 @!p1 $0x2  }
0x9e: {  	[spmem:s7] =	stream.indirect.scatter.add.f32 @!p1 [tilespmem:s10], [sflag:$0x2], $0x80, s11, s6, $0xb8;
	[tilespmem:$0x1F108] =	vst v63  }
0x9f: {  	_ =	swait.ge @!p1 [sflag:s5], $0x4000  }
0xa0: {  	[sflag:s5] =	ssyncset.done @!p1 $0x0  }
0xa1: {  	[sflag:s5] =	ssyncadd.s32 @!p1 $0xFFFFC000  }
0xa2: {  	v5 =	vimm.s32 @!p1 $0x3300;
	[tilespmem:$0x1800] =	vst @!p1 v4  }
0xa3: {  	[tilespmem:$0x18F0] =	vst @!p1 v5  }
0xa4: {  	[tilespmem:$0x1870] =	vst @!p1 v4  }
0xa5: {  	[tilespmem:$0x18E0] =	vst @!p1 v5  }
0xa6: {  	[tilespmem:$0x1860] =	vst @!p1 v4  }
0xa7: {  	[tilespmem:$0x18D0] =	vst @!p1 v5  }
0xa8: {  	[tilespmem:$0x1850] =	vst @!p1 v4  }
0xa9: {  	[tilespmem:$0x18C0] =	vst @!p1 v5  }
0xaa: {  	[tilespmem:$0x1840] =	vst @!p1 v4  }
0xab: {  	s19 =	sadd.s32 $0x1, s19;
	[tilespmem:$0x18B0] =	vst @!p1 v5  }
0xac: {  	[tilespmem:$0x1830] =	vst @!p1 v4;
	p0 =	sne.s32 s19, $0xA  }
.Ltmp2:
0xad: {  	[tilespmem:$0x1820] =	vst @!p1 v4;
	(pc) =	sbr.rel @p0 .LBB2_5-.Ltmp2, $4  }
0xae: {  	[tilespmem:$0x1810] =	vst @!p1 v4  }
0xaf: {  	[tilespmem:$0x18A0] =	vst @!p1 v5  }
0xb0: {  	[tilespmem:$0x1890] =	vst @!p1 v5  }
0xb1: {  	[tilespmem:$0x1880] =	vst @!p1 v5  }
0xb2: {  	[tilespmem:s20], [sflag:$0x1] =	stream.indirect.gather [hbm4b:s1+s26], $0x80, s24, s26, $0xb8;
	[tilespmem:$0x1F108] =	vst v63  }
0xb3: {  	_ =	swait.ge [sflag:s28], $0x4000  }
0xb4: {  	[sflag:s28] =	ssyncset.done $0x0  }
0xb5: {  	[sflag:s28] =	ssyncadd.s32 $0xFFFFC000  }
0xb6: {  	[spmem:s7] =	stream.indirect.scatter.add.f32 [tilespmem:s20], [sflag:$0x2], $0x80, s25, s26, $0xb8;
	[tilespmem:$0x1F108] =	vst v63  }
0xb7: {  	_ =	swait.ge [sflag:s21], $0x4000  }
0xb8: {  	[sflag:s21] =	ssyncset.done $0x0  }
0xb9: {  	[sflag:s21] =	ssyncadd.s32 $0xFFFFC000  }
0xba: {  	[tilespmem:$0x1800] =	vst v0  }
0xbb: {  	[tilespmem:$0x1880] =	vst v1  }
0xbc: {  	[tilespmem:$0x1810] =	vst v0  }
0xbd: {  	[tilespmem:$0x1890] =	vst v1  }
0xbe: {  	[tilespmem:$0x1820] =	vst v0  }
0xbf: {  	[tilespmem:$0x18A0] =	vst v1  }
0xc0: {  	[tilespmem:$0x1830] =	vst v0  }
0xc1: {  	[tilespmem:$0x18B0] =	vst v1  }
0xc2: {  	[tilespmem:$0x1840] =	vst v0  }
0xc3: {  	[tilespmem:$0x18C0] =	vst v1  }
0xc4: {  	[tilespmem:$0x1850] =	vst v0  }
0xc5: {  	[tilespmem:$0x18D0] =	vst v1  }
0xc6: {  	[tilespmem:$0x1860] =	vst v0  }
0xc7: {  	[tilespmem:$0x18E0] =	vst v1  }
0xc8: {  	[tilespmem:$0x1870] =	vst v0  }
0xc9: {  	s5 =	stileid.u32;
	s29 =	sadd.s32 $0x1, s29;
	s0 =	rddreg [dreg:$0x9];
	[tilespmem:$0x18F0] =	vst v1  }
0xca: {  	s5 =	sshll.u32 s5, $0x6;
	s0 =	sadd.s32 s0, s30;
	[bflag:$0x0] =	sbarrier.arrive $0xFFFF  }
0xcb: {  	p0 =	sne.s32 s29, $0xB;
	s0 =	sshll.u32 s0, $0x4;
	s6 =	rddreg [dreg:$0x4]  }
0xcc: {  	s5 =	sor.u32 $0x1C02, s5;
	s30 =	sshrl.u32 s12, $0x3;
	s0 =	sadd.s32 s6, s0  }
0xcd: {  	[hbm:s0], [sflag:s5] =	dma.local [spmem:s30], $0x3300  }
.Ltmp3:
0xce: {  	_ =	swait.ge [sflag:s21], $0x3300;
	(pc) =	sbr.rel @p0 .LBB2_2-.Ltmp3, $3  }
0xcf: {  	[sflag:s21] =	ssyncset.done $0x0  }
0xd0: {  	[sflag:s21] =	ssyncadd.s32 $0xFFFFCD00  }
0xd1: {  	[bflag:$0x0] =	sbarrier.arrive $0xFFFF;
	_ =	sdelay $0x1  }
0xd2: {  	s10 =	rddreg [dreg:$0x7]  }
0xd3: {  	s0 =	rddreg [dreg:$0xa];
	s10 =	sadd.s32 $0x1, s10  }
0xd4: {  	p0 =	sne.s32 s10, s0  }
.Ltmp4:
0xd5: {  	_ = 	snop;
	(pc) =	sbr.rel @p0 .LBB2_1-.Ltmp4, $1  }
0xd6: {  	_ =	sdelay $0x3  }
0xd7: {  	_ =	sfence.sel $0x180000  }
0xd8: {  	[bflag:$0x0] =	sbarrier.arrive $0xFFFF  }
0xd9: {  	_ =	strace $0x90000047  }
0xda: {  	s0 =	stileid.u32;
	[bflag:$0x2] =	sbarrier.arrive $0xFFFF  }
0xdb: {  	p0 =	sne.s32 s0, $0x0;
	s0 =	rddreg [dreg:$0x6]  }
0xdc: {  	s0 =	sadd.s32 @!p0 $0x100000, s0  }
0xdd: {  	[sflag:s0] =	ssyncadd.tile.s32 @!p0 $0x1;
	_ =	shalt  }
.Lfunc_end2:
_tile_overlayer_lowered:
.L_overlay_start_2:
0xde: {  	(tag) =	ssettag $0x2  }
0xdf: {  	s0 =	rddreg [dreg:$0x0];
	s2 =	stileid.u32  }
0xe0: {  	s1 =	rddreg [dreg:$0x1];
	p0 =	sne.s32 s2, $0x0  }
0xe1: {  	s3 =	rddreg [dreg:$0x2];
	[bflag:$0x3] =	sbarrier.arrive $0xFFFF;
	s2 =	simm.s32 @!p0 $0x1C02  }
0xe2: {  	[timem:s3], [sflag:s2] =	dma.local @!p0 [hbm:s0], s1  }
0xe3: {  	s0 =	simm.s32 @!p0 $0x2  }
0xe4: {  	_ =	swait.ge @!p0 [sflag:s0], s1  }
0xe5: {  	s1 =	ssub.s32 @!p0 $0x0, s1;
	[sflag:s0] =	ssyncset.done @!p0 $0x0  }
0xe6: {  	[sflag:s0] =	ssyncadd.s32 @!p0 s1  }
0xe7: {  	[bflag:$0x3] =	sbarrier.arrive $0xFFFF  }
0xe8: {  	_ =	shalt  }

</sc_bundles>
